<compile_context>
chip_gen: v7x
topology: tpu7x:2x2x1
jax: 0.10.2.dev20260603
libtpu: 0.0.44.dev20260713+nightly
codegen_flags: <defaults>
</compile_context>

<pallas_src>
import functools

import jax
import jax.numpy as jnp
from jax import lax
from jax.experimental import pallas as pl
from jax.experimental.pallas import tpu as pltpu
from jax.experimental.pallas import tpu_sc as plsc

N = 10000
E = 320000
EPAD = 327680
ROWS128 = EPAD // 128
CH_SC = ROWS128 // 16
CH_DEG = ROWS128 // 32
ACC = 10112
HALF = 128


def _mesh():
    return plsc.VectorSubcoreMesh(core_axis_name="c", subcore_axis_name="s")


def _deg_parts(dst2d, ones128, zer128):

    @functools.partial(
        pl.kernel,
        out_type=jax.ShapeDtypeStruct((2 * N, HALF), jnp.float32),
        mesh=_mesh(),
        scratch_types=[
            pltpu.VMEM((CH_DEG, 128), jnp.int32),
            pltpu.VMEM((128, HALF), jnp.float32),
            pltpu.VMEM_SHARED((ACC, HALF), jnp.float32),
        ],
    )
    def kern(dst_hbm, ones_hbm, zer_hbm, out_hbm, idx_v, ones_v, acc):
        c = lax.axis_index("c")
        s = lax.axis_index("s")
        wid = s * 2 + c
        pltpu.sync_copy(zer_hbm, acc.at[pl.ds(s * 632, 632)])
        pltpu.sync_copy(ones_hbm, ones_v)
        pltpu.sync_copy(dst_hbm.at[pl.ds(wid * CH_DEG, CH_DEG)], idx_v)
        plsc.subcore_barrier()

        @pl.loop(0, CH_DEG)
        def _(j):
            pltpu.sync_copy(ones_v, acc.at[idx_v.at[j]], add=True)

        plsc.subcore_barrier()

        @pl.when(s < 10)
        def _():
            pltpu.sync_copy(acc.at[pl.ds(s * 1000, 1000)],
                            out_hbm.at[pl.ds(c * N + s * 1000, 1000)])

    return kern(dst2d, ones128, zer128)


def _sc_scatter(zA, zB, src2d, dst2d, zer128):
    out_t = jax.ShapeDtypeStruct((N, HALF), jnp.float32)

    @functools.partial(
        pl.kernel,
        out_type=[out_t, out_t],
        mesh=_mesh(),
        scratch_types=[
            pltpu.VMEM((16, 128), jnp.int32),
            pltpu.VMEM((16, 128), jnp.int32),
            pltpu.VMEM((128, HALF), jnp.float32),
            pltpu.VMEM((128, HALF), jnp.float32),
            pltpu.VMEM_SHARED((ACC, HALF), jnp.float32),
            pltpu.SemaphoreType.DMA,
            pltpu.SemaphoreType.DMA,
            pltpu.SemaphoreType.DMA,
            pltpu.SemaphoreType.DMA,
        ],
    )
    def kern(zA_hbm, zB_hbm, src_hbm, dst_hbm, zer_hbm, outA, outB,
             src_v, dst_v, rows0, rows1, acc, sem0, sem1, sem2, sem3):
        c = lax.axis_index("c")
        s = lax.axis_index("s")
        pltpu.sync_copy(zer_hbm, acc.at[pl.ds(s * 632, 632)])
        plsc.subcore_barrier()

        @pl.loop(0, CH_SC // 2)
        def _(p):
            @pl.when(p > 0)
            def _():
                pltpu.make_async_copy(
                    zA_hbm.at[pl.ds(0, 128)], rows0, sem2).wait()
                pltpu.make_async_copy(
                    zA_hbm.at[pl.ds(0, 128)], rows1, sem3).wait()

            @pl.when(p % 8 == 0)
            def _():
                blk = p // 8
                pltpu.sync_copy(
                    src_hbm.at[pl.ds(s * CH_SC + blk * 16, 16)], src_v)
                pltpu.sync_copy(
                    dst_hbm.at[pl.ds(s * CH_SC + blk * 16, 16)], dst_v)

            r0 = (p % 8) * 2
            r1 = r0 + 1

            @pl.when(c == 0)
            def _():
                cp0 = pltpu.async_copy(zA_hbm.at[src_v.at[r0]], rows0, sem0)
                cp1 = pltpu.async_copy(zA_hbm.at[src_v.at[r1]], rows1, sem1)
                cp0.wait()
                pltpu.async_copy(rows0, acc.at[dst_v.at[r0]], sem2, add=True)
                cp1.wait()
                pltpu.async_copy(rows1, acc.at[dst_v.at[r1]], sem3, add=True)

            @pl.when(c == 1)
            def _():
                cp0 = pltpu.async_copy(zB_hbm.at[src_v.at[r0]], rows0, sem0)
                cp1 = pltpu.async_copy(zB_hbm.at[src_v.at[r1]], rows1, sem1)
                cp0.wait()
                pltpu.async_copy(rows0, acc.at[dst_v.at[r0]], sem2, add=True)
                cp1.wait()
                pltpu.async_copy(rows1, acc.at[dst_v.at[r1]], sem3, add=True)

        pltpu.make_async_copy(zA_hbm.at[pl.ds(0, 128)], rows0, sem2).wait()
        pltpu.make_async_copy(zA_hbm.at[pl.ds(0, 128)], rows1, sem3).wait()
        plsc.subcore_barrier()

        @pl.when((c == 0) & (s < 10))
        def _():
            pltpu.sync_copy(acc.at[pl.ds(s * 1000, 1000)],
                            outA.at[pl.ds(s * 1000, 1000)])

        @pl.when((c == 1) & (s < 10))
        def _():
            pltpu.sync_copy(acc.at[pl.ds(s * 1000, 1000)],
                            outB.at[pl.ds(s * 1000, 1000)])

    return kern(zA, zB, src2d, dst2d, zer128)


def _dinv(deg_ref):
    d = deg_ref[0:N, 0:1] + deg_ref[N:2 * N, 0:1] + 1.0
    return lax.rsqrt(d)


def _mm1(x, W1):
    def body(x_ref, w_ref, hA_ref, hB_ref):
        h = jnp.dot(x_ref[...], w_ref[...], preferred_element_type=jnp.float32)
        hA_ref[...] = h[:, :HALF]
        hB_ref[...] = h[:, HALF:]

    out_t = jax.ShapeDtypeStruct((N, HALF), jnp.float32)
    return pl.pallas_call(body, out_shape=[out_t, out_t])(x, W1)


def _scale(hA, hB, degflat):
    def body(hA_ref, hB_ref, deg_ref, zA_ref, zB_ref, dinv_ref):
        dinv = _dinv(deg_ref)
        zA_ref[...] = hA_ref[...] * dinv
        zB_ref[...] = hB_ref[...] * dinv
        dinv_ref[...] = jnp.broadcast_to(dinv, (N, HALF))

    out_t = jax.ShapeDtypeStruct((N, HALF), jnp.float32)
    return pl.pallas_call(body, out_shape=[out_t, out_t, out_t])(
        hA, hB, degflat)


def _bn(S_ref, z_ref, dinv_ref, b_ref, g_ref, bt_ref):
    p = (S_ref[...] + z_ref[...]) * dinv_ref[...] + b_ref[...]
    mu = jnp.mean(p, axis=0, keepdims=True)
    q = p - mu
    var = jnp.mean(q * q, axis=0, keepdims=True)
    return jnp.maximum(
        q * lax.rsqrt(var + 1e-5) * g_ref[...] + bt_ref[...], 0.0)


def _bn_mm(SA, SB, zA, zB, dinv128, bA, bB, gA, gB, btA, btB, W2):
    def body(SA_ref, SB_ref, zA_ref, zB_ref, dinv_ref, bA_ref, bB_ref,
             gA_ref, gB_ref, btA_ref, btB_ref, w_ref, zoA_ref, zoB_ref):
        aA = _bn(SA_ref, zA_ref, dinv_ref, bA_ref, gA_ref, btA_ref)
        aB = _bn(SB_ref, zB_ref, dinv_ref, bB_ref, gB_ref, btB_ref)
        a = jnp.concatenate([aA, aB], axis=1)
        h = jnp.dot(a, w_ref[...], preferred_element_type=jnp.float32)
        zoA_ref[...] = h[:, :HALF] * dinv_ref[...]
        zoB_ref[...] = h[:, HALF:] * dinv_ref[...]

    out_t = jax.ShapeDtypeStruct((N, HALF), jnp.float32)
    return pl.pallas_call(body, out_shape=[out_t, out_t])(
        SA, SB, zA, zB, dinv128, bA, bB, gA, gB, btA, btB, W2)


def _bn_final(SA, SB, zA, zB, dinv128, bA, bB, gA, gB, btA, btB, Wfc, bfc):
    def body(SA_ref, SB_ref, zA_ref, zB_ref, dinv_ref, bA_ref, bB_ref,
             gA_ref, gB_ref, btA_ref, btB_ref, w_ref, bfc_ref, y_ref):
        aA = _bn(SA_ref, zA_ref, dinv_ref, bA_ref, gA_ref, btA_ref)
        aB = _bn(SB_ref, zB_ref, dinv_ref, bB_ref, gB_ref, btB_ref)
        a = jnp.concatenate([aA, aB], axis=1)
        y_ref[...] = jnp.dot(a, w_ref[...],
                             preferred_element_type=jnp.float32) + bfc_ref[...]

    out_t = jax.ShapeDtypeStruct((N, Wfc.shape[1]), jnp.float32)
    return pl.pallas_call(body, out_shape=out_t)(
        SA, SB, zA, zB, dinv128, bA, bB, gA, gB, btA, btB, Wfc, bfc)


def kernel(x, edge_index, W1, b1, g1, bt1, W2, b2, g2, bt2, Wfc, bfc):
    ei = edge_index.astype(jnp.int32)
    pad = EPAD - E
    pad_src = (jnp.arange(pad, dtype=jnp.int32) * 97) % N
    pad_dst = N + (jnp.arange(pad, dtype=jnp.int32) % 48)
    src2d = jnp.concatenate([ei[0], pad_src]).reshape(ROWS128, 128)
    dst2d = jnp.concatenate([ei[1], pad_dst]).reshape(ROWS128, 128)

    ones128 = jnp.ones((128, HALF), jnp.float32)
    zer128 = jnp.zeros((632, HALF), jnp.float32)

    h1A, h1B = _mm1(x, W1)
    degflat = _deg_parts(dst2d, ones128, zer128)
    z1A, z1B, dinv128 = _scale(h1A, h1B, degflat)
    S1A, S1B = _sc_scatter(z1A, z1B, src2d, dst2d, zer128)
    z2A, z2B = _bn_mm(S1A, S1B, z1A, z1B, dinv128,
                      b1[:HALF].reshape(1, -1), b1[HALF:].reshape(1, -1),
                      g1[:HALF].reshape(1, -1), g1[HALF:].reshape(1, -1),
                      bt1[:HALF].reshape(1, -1), bt1[HALF:].reshape(1, -1),
                      W2)
    S2A, S2B = _sc_scatter(z2A, z2B, src2d, dst2d, zer128)
    return _bn_final(S2A, S2B, z2A, z2B, dinv128,
                     b2[:HALF].reshape(1, -1), b2[HALF:].reshape(1, -1),
                     g2[:HALF].reshape(1, -1), g2[HALF:].reshape(1, -1),
                     bt2[:HALF].reshape(1, -1), bt2[HALF:].reshape(1, -1),
                     Wfc, bfc.reshape(1, -1))

# --- scband reference (transcript-rebuilt; emitter-appended) ---
"""Pipeline reference for scband-gcn-71004399337579 (READ-ONLY COPY).

The authoritative reference and input builder live on the scoring server;
editing this copy changes nothing except your own understanding.
"""

import jax, jax.numpy as jnp
import numpy as np

N_NODES = 10000


def gcn_conv(x, edge_index, W, b):
    n = x.shape[0]
    src = edge_index[0]
    dst = edge_index[1]
    loop = jnp.arange(n, dtype=src.dtype)
    src = jnp.concatenate([src, loop])
    dst = jnp.concatenate([dst, loop])
    h = x @ W
    deg = jnp.zeros((n,), dtype=x.dtype).at[dst].add(1.0)
    dinv = jnp.where(deg > 0, jax.lax.rsqrt(deg), 0.0)
    norm = dinv[src] * dinv[dst]
    msg = h[src] * norm[:, None]
    out = jnp.zeros((n, h.shape[1]), dtype=x.dtype).at[dst].add(msg)
    return out + b


def batch_norm(x, gamma, beta, eps=1e-5):
    mean = jnp.mean(x, axis=0)
    var = jnp.var(x, axis=0)
    xhat = (x - mean) * jax.lax.rsqrt(var + eps)
    return xhat * gamma + beta


def setup_inputs(seed: int = 0) -> dict:
    key = jax.random.key(seed)
    ks = jax.random.split(key, 8)
    in_c, hid_c, out_c = 128, 256, 64
    x = jax.random.normal(ks[0], (N_NODES, in_c), dtype=jnp.float32)
    edge_index = jax.random.randint(ks[1], (2, 320000), 0, N_NODES, dtype=jnp.int64)
    W1 = jax.random.normal(ks[2], (in_c, hid_c), dtype=jnp.float32) * (1.0 / np.sqrt(in_c))
    b1 = jnp.zeros((hid_c,), dtype=jnp.float32)
    g1 = jnp.ones((hid_c,), dtype=jnp.float32)
    bt1 = jnp.zeros((hid_c,), dtype=jnp.float32)
    W2 = jax.random.normal(ks[3], (hid_c, hid_c), dtype=jnp.float32) * (1.0 / np.sqrt(hid_c))
    b2 = jnp.zeros((hid_c,), dtype=jnp.float32)
    g2 = jnp.ones((hid_c,), dtype=jnp.float32)
    bt2 = jnp.zeros((hid_c,), dtype=jnp.float32)
    Wfc = jax.random.normal(ks[4], (hid_c, out_c), dtype=jnp.float32) * (1.0 / np.sqrt(hid_c))
    bfc = jnp.zeros((out_c,), dtype=jnp.float32)
    return {"x": x, "edge_index": edge_index, "W1": W1, "b1": b1, "g1": g1, "bt1": bt1,
            "W2": W2, "b2": b2, "g2": g2, "bt2": bt2, "Wfc": Wfc, "bfc": bfc}


def reference(x, edge_index, W1, b1, g1, bt1, W2, b2, g2, bt2, Wfc, bfc):
    h = gcn_conv(x, edge_index, W1, b1)
    h = jax.nn.relu(batch_norm(h, g1, bt1))
    # dropout omitted (deterministic eval path)
    h = gcn_conv(h, edge_index, W2, b2)
    h = jax.nn.relu(batch_norm(h, g2, bt2))
    return h @ Wfc + bfc

if __name__ == "__main__":
    import jax
    _d = setup_inputs()
    print(jax.jit(kernel)(*tuple(_d.values())))

</pallas_src>

<mosaic_0001>
#map = affine_map<(d0, d1) -> (0, 0)>
module attributes {stable_mosaic.version = 14 : i64} {
  func.func @kern(%arg0: i32, %arg1: i32, %arg2: memref<2560x128xi32, #tpu.memory_space<hbm>>, %arg3: memref<128x128xf32, #tpu.memory_space<hbm>>, %arg4: memref<632x128xf32, #tpu.memory_space<hbm>>, %arg5: memref<20000x128xf32, #tpu.memory_space<hbm>>, %arg6: memref<80x128xi32, #tpu.memory_space<vmem>>, %arg7: memref<128x128xf32, #tpu.memory_space<vmem>>, %arg8: memref<10112x128xf32, #tpu.memory_space<vmem_shared>>) attributes {dimension_semantics = [#tpu.dimension_semantics<core_parallel>, #tpu.dimension_semantics<subcore_parallel>], iteration_bounds = array<i64: 2, 16>, scalar_prefetch = 0 : i64, scratch_operands = 3 : i64, tpu.core_type = #tpu.core_type<sc_vector_subcore>, window_params = [{transform_indices = #map}, {transform_indices = #map}, {transform_indices = #map}, {transform_indices = #map}]} {
    %mul3A = arith.constant 2 : i32
    %mul3A_0 = arith.muli %arg1, %mul3A : i32
    %add3A = arith.addi %mul3A_0, %arg0 : i32
    %mul3A_1 = arith.constant 632 : i32
    %mul3A_2 = arith.muli %arg1, %mul3A_1 : i32
    "tpu.region"() ({
      %run_scoped3A = tpu.sem_alloc : memref<!tpu.dma_semaphore, #tpu.memory_space<semaphore_mem>>
      %dma_start3A = arith.constant 0 : i32
      %dma_start3A_12 = tpu.memref_slice %arg8[%mul3A_2, %dma_start3A] : memref<10112x128xf32, #tpu.memory_space<vmem_shared>> -> memref<632x128xf32, #tpu.memory_space<vmem_shared>>
      tpu.enqueue_dma source(%arg4 : memref<632x128xf32, #tpu.memory_space<hbm>>) target(%dma_start3A_12 : memref<632x128xf32, #tpu.memory_space<vmem_shared>>) target_semaphore(%run_scoped3A : memref<!tpu.dma_semaphore, #tpu.memory_space<semaphore_mem>>)
      %dma_wait3A = arith.constant 0 : i32
      %dma_wait3A_13 = tpu.memref_slice %arg8[%mul3A_2, %dma_wait3A] : memref<10112x128xf32, #tpu.memory_space<vmem_shared>> -> memref<632x128xf32, #tpu.memory_space<vmem_shared>>
      tpu.wait_dma2 semaphore(%run_scoped3A : memref<!tpu.dma_semaphore, #tpu.memory_space<semaphore_mem>>) src(%arg4 : memref<632x128xf32, #tpu.memory_space<hbm>>) dst(%dma_wait3A_13 : memref<632x128xf32, #tpu.memory_space<vmem_shared>>)
      tpu.yield
    }) : () -> ()
    "tpu.region"() ({
      %run_scoped3A = tpu.sem_alloc : memref<!tpu.dma_semaphore, #tpu.memory_space<semaphore_mem>>
      tpu.enqueue_dma source(%arg3 : memref<128x128xf32, #tpu.memory_space<hbm>>) target(%arg7 : memref<128x128xf32, #tpu.memory_space<vmem>>) target_semaphore(%run_scoped3A : memref<!tpu.dma_semaphore, #tpu.memory_space<semaphore_mem>>)
      tpu.wait_dma2 semaphore(%run_scoped3A : memref<!tpu.dma_semaphore, #tpu.memory_space<semaphore_mem>>) src(%arg3 : memref<128x128xf32, #tpu.memory_space<hbm>>) dst(%arg7 : memref<128x128xf32, #tpu.memory_space<vmem>>)
      tpu.yield
    }) : () -> ()
    %mul3A_3 = arith.constant 80 : i32
    %mul3A_4 = arith.muli %add3A, %mul3A_3 : i32
    "tpu.region"() ({
      %run_scoped3A = tpu.sem_alloc : memref<!tpu.dma_semaphore, #tpu.memory_space<semaphore_mem>>
      %dma_start3A = arith.constant 0 : i32
      %dma_start3A_12 = tpu.memref_slice %arg2[%mul3A_4, %dma_start3A] : memref<2560x128xi32, #tpu.memory_space<hbm>> -> memref<80x128xi32, #tpu.memory_space<hbm>>
      %dma_start3A_13 = arith.constant 0 : i32
      %dma_start3A_14 = tpu.memref_slice %arg2[%mul3A_4, %dma_start3A_13] : memref<2560x128xi32, #tpu.memory_space<hbm>> -> memref<80x128xi32, #tpu.memory_space<hbm>>
      tpu.enqueue_dma source(%dma_start3A_14 : memref<80x128xi32, #tpu.memory_space<hbm>>) target(%arg6 : memref<80x128xi32, #tpu.memory_space<vmem>>) target_semaphore(%run_scoped3A : memref<!tpu.dma_semaphore, #tpu.memory_space<semaphore_mem>>)
      %dma_wait3A = arith.constant 0 : i32
      %dma_wait3A_15 = tpu.memref_slice %arg2[%mul3A_4, %dma_wait3A] : memref<2560x128xi32, #tpu.memory_space<hbm>> -> memref<80x128xi32, #tpu.memory_space<hbm>>
      %dma_wait3A_16 = arith.constant 0 : i32
      %dma_wait3A_17 = tpu.memref_slice %arg2[%mul3A_4, %dma_wait3A_16] : memref<2560x128xi32, #tpu.memory_space<hbm>> -> memref<80x128xi32, #tpu.memory_space<hbm>>
      tpu.wait_dma2 semaphore(%run_scoped3A : memref<!tpu.dma_semaphore, #tpu.memory_space<semaphore_mem>>) src(%dma_wait3A_17 : memref<80x128xi32, #tpu.memory_space<hbm>>) dst(%arg6 : memref<80x128xi32, #tpu.memory_space<vmem>>)
      tpu.yield
    }) : () -> ()
    %barrier3A = arith.constant 0 : index
    tpu.barrier barrier_id(%barrier3A)
    %scan3A = arith.constant 0 : i32
    %scan3A_5 = arith.constant 80 : i32
    %scan3A_6 = arith.addi %scan3A, %scan3A_5 : i32
    %scan3A_7 = arith.constant 1 : i32
    scf.for %scan3A_12 = %scan3A to %scan3A_6 step %scan3A_7  : i32 {
      %mul3A_13 = arith.constant 1 : i32
      %mul3A_14 = arith.muli %scan3A_12, %mul3A_13 : i32
      %add3A_15 = arith.constant 0 : i32
      %add3A_16 = arith.addi %add3A_15, %mul3A_14 : i32
      "tpu.region"() ({
        %run_scoped3A = tpu.sem_alloc : memref<!tpu.dma_semaphore, #tpu.memory_space<semaphore_mem>>
        %dma_start3A = arith.constant 0 : i32
        %dma_start3A_17 = tpu.memref_slice %arg6[%add3A_16, %dma_start3A] : memref<80x128xi32, #tpu.memory_space<vmem>> -> memref<1x128xi32, #tpu.memory_space<vmem>>
        %dma_start3A_18 = tpu.memref_squeeze %dma_start3A_17 : memref<1x128xi32, #tpu.memory_space<vmem>> -> memref<128xi32, #tpu.memory_space<vmem>>
        %dma_start3A_19 = arith.constant 0 : i32
        %dma_start3A_20 = arith.constant 0 : i32
        %dma_start3A_21 = tpu.memref_slice %arg8[%dma_start3A_19, %dma_start3A_20] : memref<10112x128xf32, #tpu.memory_space<vmem_shared>> -> memref<10112x128xf32, #tpu.memory_space<vmem_shared>>
        tpu.enqueue_indirect_dma source(%arg7 : memref<128x128xf32, #tpu.memory_space<vmem>>) target(%dma_start3A_21 : memref<10112x128xf32, #tpu.memory_space<vmem_shared>>) offsets(%dma_start3A_18 : memref<128xi32, #tpu.memory_space<vmem>>) semaphore(%run_scoped3A : memref<!tpu.dma_semaphore, #tpu.memory_space<semaphore_mem>>) {add = true}
        %dma_wait3A = arith.constant 0 : i32
        %dma_wait3A_22 = tpu.memref_slice %arg6[%add3A_16, %dma_wait3A] : memref<80x128xi32, #tpu.memory_space<vmem>> -> memref<1x128xi32, #tpu.memory_space<vmem>>
        %dma_wait3A_23 = tpu.memref_squeeze %dma_wait3A_22 : memref<1x128xi32, #tpu.memory_space<vmem>> -> memref<128xi32, #tpu.memory_space<vmem>>
        %dma_wait3A_24 = arith.constant 0 : i32
        %dma_wait3A_25 = arith.constant 0 : i32
        %dma_wait3A_26 = tpu.memref_slice %arg8[%dma_wait3A_24, %dma_wait3A_25] : memref<10112x128xf32, #tpu.memory_space<vmem_shared>> -> memref<10112x128xf32, #tpu.memory_space<vmem_shared>>
        tpu.wait_indirect_dma semaphore(%run_scoped3A : memref<!tpu.dma_semaphore, #tpu.memory_space<semaphore_mem>>) src(%arg7 : memref<128x128xf32, #tpu.memory_space<vmem>>) dst(%dma_wait3A_26 : memref<10112x128xf32, #tpu.memory_space<vmem_shared>>)
        tpu.yield
      }) : () -> ()
    }
    %scan3A_8 = arith.constant 80 : i32
    %barrier3A_9 = arith.constant 0 : index
    tpu.barrier barrier_id(%barrier3A_9)
    %lt3A = arith.constant 10 : i32
    %lt3A_10 = arith.cmpi slt, %arg1, %lt3A : i32
    %convert_element_type3A = arith.extui %lt3A_10 : i1 to i32
    %cond3A = arith.constant 0 : i32
    %cond3A_11 = arith.cmpi ne, %convert_element_type3A, %cond3A : i32
    scf.if %cond3A_11 {
      %mul3A_12 = arith.constant 1000 : i32
      %mul3A_13 = arith.muli %arg1, %mul3A_12 : i32
      %mul3A_14 = arith.constant 10000 : i32
      %mul3A_15 = arith.muli %arg0, %mul3A_14 : i32
      %mul3A_16 = arith.constant 1000 : i32
      %mul3A_17 = arith.muli %arg1, %mul3A_16 : i32
      %add3A_18 = arith.addi %mul3A_15, %mul3A_17 : i32
      "tpu.region"() ({
        %run_scoped3A = tpu.sem_alloc : memref<!tpu.dma_semaphore, #tpu.memory_space<semaphore_mem>>
        %dma_start3A = arith.constant 0 : i32
        %dma_start3A_19 = tpu.memref_slice %arg5[%add3A_18, %dma_start3A] : memref<20000x128xf32, #tpu.memory_space<hbm>> -> memref<1000x128xf32, #tpu.memory_space<hbm>>
        %dma_start3A_20 = arith.constant 0 : i32
        %dma_start3A_21 = tpu.memref_slice %arg8[%mul3A_13, %dma_start3A_20] : memref<10112x128xf32, #tpu.memory_space<vmem_shared>> -> memref<1000x128xf32, #tpu.memory_space<vmem_shared>>
        tpu.enqueue_dma source(%dma_start3A_21 : memref<1000x128xf32, #tpu.memory_space<vmem_shared>>) target(%dma_start3A_19 : memref<1000x128xf32, #tpu.memory_space<hbm>>) target_semaphore(%run_scoped3A : memref<!tpu.dma_semaphore, #tpu.memory_space<semaphore_mem>>)
        %dma_wait3A = arith.constant 0 : i32
        %dma_wait3A_22 = tpu.memref_slice %arg5[%add3A_18, %dma_wait3A] : memref<20000x128xf32, #tpu.memory_space<hbm>> -> memref<1000x128xf32, #tpu.memory_space<hbm>>
        %dma_wait3A_23 = arith.constant 0 : i32
        %dma_wait3A_24 = tpu.memref_slice %arg8[%mul3A_13, %dma_wait3A_23] : memref<10112x128xf32, #tpu.memory_space<vmem_shared>> -> memref<1000x128xf32, #tpu.memory_space<vmem_shared>>
        tpu.wait_dma2 semaphore(%run_scoped3A : memref<!tpu.dma_semaphore, #tpu.memory_space<semaphore_mem>>) src(%dma_wait3A_24 : memref<1000x128xf32, #tpu.memory_space<vmem_shared>>) dst(%dma_wait3A_22 : memref<1000x128xf32, #tpu.memory_space<hbm>>)
        tpu.yield
      }) : () -> ()
    } else {
    }
    return
  }
}

#map = affine_map<(d0, d1) -> (0, 0)>
module attributes {stable_mosaic.version = 14 : i64} {
  func.func @kern(%arg0: i32, %arg1: i32, %arg2: memref<10000x128xf32, #tpu.memory_space<hbm>>, %arg3: memref<10000x128xf32, #tpu.memory_space<hbm>>, %arg4: memref<2560x128xi32, #tpu.memory_space<hbm>>, %arg5: memref<2560x128xi32, #tpu.memory_space<hbm>>, %arg6: memref<632x128xf32, #tpu.memory_space<hbm>>, %arg7: memref<10000x128xf32, #tpu.memory_space<hbm>>, %arg8: memref<10000x128xf32, #tpu.memory_space<hbm>>, %arg9: memref<16x128xi32, #tpu.memory_space<vmem>>, %arg10: memref<16x128xi32, #tpu.memory_space<vmem>>, %arg11: memref<128x128xf32, #tpu.memory_space<vmem>>, %arg12: memref<128x128xf32, #tpu.memory_space<vmem>>, %arg13: memref<10112x128xf32, #tpu.memory_space<vmem_shared>>, %arg14: memref<!tpu.dma_semaphore, #tpu.memory_space<semaphore_mem>>, %arg15: memref<!tpu.dma_semaphore, #tpu.memory_space<semaphore_mem>>, %arg16: memref<!tpu.dma_semaphore, #tpu.memory_space<semaphore_mem>>, %arg17: memref<!tpu.dma_semaphore, #tpu.memory_space<semaphore_mem>>) attributes {dimension_semantics = [#tpu.dimension_semantics<core_parallel>, #tpu.dimension_semantics<subcore_parallel>], iteration_bounds = array<i64: 2, 16>, scalar_prefetch = 0 : i64, scratch_operands = 9 : i64, tpu.core_type = #tpu.core_type<sc_vector_subcore>, window_params = [{transform_indices = #map}, {transform_indices = #map}, {transform_indices = #map}, {transform_indices = #map}, {transform_indices = #map}, {transform_indices = #map}, {transform_indices = #map}]} {
    %mul3A = arith.constant 632 : i32
    %mul3A_0 = arith.muli %arg1, %mul3A : i32
    "tpu.region"() ({
      %run_scoped3A = tpu.sem_alloc : memref<!tpu.dma_semaphore, #tpu.memory_space<semaphore_mem>>
      %dma_start3A = arith.constant 0 : i32
      %dma_start3A_28 = tpu.memref_slice %arg13[%mul3A_0, %dma_start3A] : memref<10112x128xf32, #tpu.memory_space<vmem_shared>> -> memref<632x128xf32, #tpu.memory_space<vmem_shared>>
      tpu.enqueue_dma source(%arg6 : memref<632x128xf32, #tpu.memory_space<hbm>>) target(%dma_start3A_28 : memref<632x128xf32, #tpu.memory_space<vmem_shared>>) target_semaphore(%run_scoped3A : memref<!tpu.dma_semaphore, #tpu.memory_space<semaphore_mem>>)
      %dma_wait3A_29 = arith.constant 0 : i32
      %dma_wait3A_30 = tpu.memref_slice %arg13[%mul3A_0, %dma_wait3A_29] : memref<10112x128xf32, #tpu.memory_space<vmem_shared>> -> memref<632x128xf32, #tpu.memory_space<vmem_shared>>
      tpu.wait_dma2 semaphore(%run_scoped3A : memref<!tpu.dma_semaphore, #tpu.memory_space<semaphore_mem>>) src(%arg6 : memref<632x128xf32, #tpu.memory_space<hbm>>) dst(%dma_wait3A_30 : memref<632x128xf32, #tpu.memory_space<vmem_shared>>)
      tpu.yield
    }) : () -> ()
    %barrier3A = arith.constant 0 : index
    tpu.barrier barrier_id(%barrier3A)
    %scan3A = arith.constant 0 : i32
    %scan3A_1 = arith.constant 80 : i32
    %scan3A_2 = arith.addi %scan3A, %scan3A_1 : i32
    %scan3A_3 = arith.constant 1 : i32
    scf.for %scan3A_28 = %scan3A to %scan3A_2 step %scan3A_3  : i32 {
      %mul3A_29 = arith.constant 1 : i32
      %mul3A_30 = arith.muli %scan3A_28, %mul3A_29 : i32
      %add3A = arith.constant 0 : i32
      %add3A_31 = arith.addi %add3A, %mul3A_30 : i32
      %gt3A = arith.constant 0 : i32
      %gt3A_32 = arith.cmpi sgt, %add3A_31, %gt3A : i32
      %convert_element_type3A_33 = arith.extui %gt3A_32 : i1 to i32
      %cond3A_34 = arith.constant 0 : i32
      %cond3A_35 = arith.cmpi ne, %convert_element_type3A_33, %cond3A_34 : i32
      scf.if %cond3A_35 {
        %dma_wait3A_83 = arith.constant 0 : i32
        %dma_wait3A_84 = arith.constant 0 : i32
        %dma_wait3A_85 = tpu.memref_slice %arg2[%dma_wait3A_83, %dma_wait3A_84] : memref<10000x128xf32, #tpu.memory_space<hbm>> -> memref<128x128xf32, #tpu.memory_space<hbm>>
        %dma_wait3A_86 = arith.constant 0 : i32
        %dma_wait3A_87 = arith.constant 0 : i32
        %dma_wait3A_88 = tpu.memref_slice %arg2[%dma_wait3A_86, %dma_wait3A_87] : memref<10000x128xf32, #tpu.memory_space<hbm>> -> memref<128x128xf32, #tpu.memory_space<hbm>>
        tpu.wait_dma2 semaphore(%arg16 : memref<!tpu.dma_semaphore, #tpu.memory_space<semaphore_mem>>) src(%dma_wait3A_88 : memref<128x128xf32, #tpu.memory_space<hbm>>) dst(%arg11 : memref<128x128xf32, #tpu.memory_space<vmem>>)
        %dma_wait3A_89 = arith.constant 0 : i32
        %dma_wait3A_90 = arith.constant 0 : i32
        %dma_wait3A_91 = tpu.memref_slice %arg2[%dma_wait3A_89, %dma_wait3A_90] : memref<10000x128xf32, #tpu.memory_space<hbm>> -> memref<128x128xf32, #tpu.memory_space<hbm>>
        %dma_wait3A_92 = arith.constant 0 : i32
        %dma_wait3A_93 = arith.constant 0 : i32
        %dma_wait3A_94 = tpu.memref_slice %arg2[%dma_wait3A_92, %dma_wait3A_93] : memref<10000x128xf32, #tpu.memory_space<hbm>> -> memref<128x128xf32, #tpu.memory_space<hbm>>
        tpu.wait_dma2 semaphore(%arg17 : memref<!tpu.dma_semaphore, #tpu.memory_space<semaphore_mem>>) src(%dma_wait3A_94 : memref<128x128xf32, #tpu.memory_space<hbm>>) dst(%arg12 : memref<128x128xf32, #tpu.memory_space<vmem>>)
      } else {
      }
      %jit3A = arith.constant 8 : i32
      %eq3A_36 = arith.constant 0 : i32
      %eq3A_37 = arith.cmpi eq, %jit3A, %eq3A_36 : i32
      %jit3A_38 = arith.constant 1 : i32
      %select_n3A = arith.select %eq3A_37, %jit3A_38, %jit3A : i32
      %rem3A = arith.remsi %add3A_31, %select_n3A : i32
      %ne3A = arith.constant 0 : i32
      %ne3A_39 = arith.cmpi ne, %rem3A, %ne3A : i32
      %lt3A_40 = arith.constant 0 : i32
      %lt3A_41 = arith.cmpi slt, %rem3A, %lt3A_40 : i32
      %lt3A_42 = arith.constant 0 : i32
      %lt3A_43 = arith.cmpi slt, %select_n3A, %lt3A_42 : i32
      %ne3A_44 = arith.xori %lt3A_41, %lt3A_43 : i1
      %and3A_45 = arith.andi %ne3A_44, %ne3A_39 : i1
      %add3A_46 = arith.addi %rem3A, %select_n3A : i32
      %select_n3A_47 = arith.select %and3A_45, %add3A_46, %rem3A : i32
      %eq3A_48 = arith.constant 0 : i32
      %eq3A_49 = arith.cmpi eq, %select_n3A_47, %eq3A_48 : i32
      %convert_element_type3A_50 = arith.extui %eq3A_49 : i1 to i32
      %cond3A_51 = arith.constant 0 : i32
      %cond3A_52 = arith.cmpi ne, %convert_element_type3A_50, %cond3A_51 : i32
      scf.if %cond3A_52 {
        %jit3A_83 = arith.constant 8 : i32
        %div3A = arith.divsi %add3A_31, %jit3A_83 : i32
        %sign3A = arith.constant 0 : i32
        %sign3A_84 = arith.cmpi sgt, %add3A_31, %sign3A : i32
        %sign3A_85 = arith.extui %sign3A_84 : i1 to i32
        %sign3A_86 = arith.constant 0 : i32
        %sign3A_87 = arith.cmpi slt, %add3A_31, %sign3A_86 : i32
        %sign3A_88 = arith.extui %sign3A_87 : i1 to i32
        %sign3A_89 = arith.subi %sign3A_85, %sign3A_88 : i32
        %sign3A_90 = arith.constant 0 : i32
        %sign3A_91 = arith.cmpi sgt, %jit3A_83, %sign3A_90 : i32
        %sign3A_92 = arith.extui %sign3A_91 : i1 to i32
        %sign3A_93 = arith.constant 0 : i32
        %sign3A_94 = arith.cmpi slt, %jit3A_83, %sign3A_93 : i32
        %sign3A_95 = arith.extui %sign3A_94 : i1 to i32
        %sign3A_96 = arith.subi %sign3A_92, %sign3A_95 : i32
        %ne3A_97 = arith.cmpi ne, %sign3A_89, %sign3A_96 : i32
        %rem3A_98 = arith.remsi %add3A_31, %jit3A_83 : i32
        %ne3A_99 = arith.constant 0 : i32
        %ne3A_100 = arith.cmpi ne, %rem3A_98, %ne3A_99 : i32
        %and3A_101 = arith.andi %ne3A_97, %ne3A_100 : i1
        %sub3A = arith.constant 1 : i32
        %sub3A_102 = arith.subi %div3A, %sub3A : i32
        %select_n3A_103 = arith.select %and3A_101, %sub3A_102, %div3A : i32
        %mul3A_104 = arith.constant 160 : i32
        %mul3A_105 = arith.muli %arg1, %mul3A_104 : i32
        %mul3A_106 = arith.constant 16 : i32
        %mul3A_107 = arith.muli %select_n3A_103, %mul3A_106 : i32
        %add3A_108 = arith.addi %mul3A_105, %mul3A_107 : i32
        "tpu.region"() ({
          %run_scoped3A = tpu.sem_alloc : memref<!tpu.dma_semaphore, #tpu.memory_space<semaphore_mem>>
          %dma_start3A = arith.constant 0 : i32
          %dma_start3A_114 = tpu.memref_slice %arg4[%add3A_108, %dma_start3A] : memref<2560x128xi32, #tpu.memory_space<hbm>> -> memref<16x128xi32, #tpu.memory_space<hbm>>
          %dma_start3A_115 = arith.constant 0 : i32
          %dma_start3A_116 = tpu.memref_slice %arg4[%add3A_108, %dma_start3A_115] : memref<2560x128xi32, #tpu.memory_space<hbm>> -> memref<16x128xi32, #tpu.memory_space<hbm>>
          tpu.enqueue_dma source(%dma_start3A_116 : memref<16x128xi32, #tpu.memory_space<hbm>>) target(%arg9 : memref<16x128xi32, #tpu.memory_space<vmem>>) target_semaphore(%run_scoped3A : memref<!tpu.dma_semaphore, #tpu.memory_space<semaphore_mem>>)
          %dma_wait3A_117 = arith.constant 0 : i32
          %dma_wait3A_118 = tpu.memref_slice %arg4[%add3A_108, %dma_wait3A_117] : memref<2560x128xi32, #tpu.memory_space<hbm>> -> memref<16x128xi32, #tpu.memory_space<hbm>>
          %dma_wait3A_119 = arith.constant 0 : i32
          %dma_wait3A_120 = tpu.memref_slice %arg4[%add3A_108, %dma_wait3A_119] : memref<2560x128xi32, #tpu.memory_space<hbm>> -> memref<16x128xi32, #tpu.memory_space<hbm>>
          tpu.wait_dma2 semaphore(%run_scoped3A : memref<!tpu.dma_semaphore, #tpu.memory_space<semaphore_mem>>) src(%dma_wait3A_120 : memref<16x128xi32, #tpu.memory_space<hbm>>) dst(%arg9 : memref<16x128xi32, #tpu.memory_space<vmem>>)
          tpu.yield
        }) : () -> ()
        %mul3A_109 = arith.constant 160 : i32
        %mul3A_110 = arith.muli %arg1, %mul3A_109 : i32
        %mul3A_111 = arith.constant 16 : i32
        %mul3A_112 = arith.muli %select_n3A_103, %mul3A_111 : i32
        %add3A_113 = arith.addi %mul3A_110, %mul3A_112 : i32
        "tpu.region"() ({
          %run_scoped3A = tpu.sem_alloc : memref<!tpu.dma_semaphore, #tpu.memory_space<semaphore_mem>>
          %dma_start3A = arith.constant 0 : i32
          %dma_start3A_114 = tpu.memref_slice %arg5[%add3A_113, %dma_start3A] : memref<2560x128xi32, #tpu.memory_space<hbm>> -> memref<16x128xi32, #tpu.memory_space<hbm>>
          %dma_start3A_115 = arith.constant 0 : i32
          %dma_start3A_116 = tpu.memref_slice %arg5[%add3A_113, %dma_start3A_115] : memref<2560x128xi32, #tpu.memory_space<hbm>> -> memref<16x128xi32, #tpu.memory_space<hbm>>
          tpu.enqueue_dma source(%dma_start3A_116 : memref<16x128xi32, #tpu.memory_space<hbm>>) target(%arg10 : memref<16x128xi32, #tpu.memory_space<vmem>>) target_semaphore(%run_scoped3A : memref<!tpu.dma_semaphore, #tpu.memory_space<semaphore_mem>>)
          %dma_wait3A_117 = arith.constant 0 : i32
          %dma_wait3A_118 = tpu.memref_slice %arg5[%add3A_113, %dma_wait3A_117] : memref<2560x128xi32, #tpu.memory_space<hbm>> -> memref<16x128xi32, #tpu.memory_space<hbm>>
          %dma_wait3A_119 = arith.constant 0 : i32
          %dma_wait3A_120 = tpu.memref_slice %arg5[%add3A_113, %dma_wait3A_119] : memref<2560x128xi32, #tpu.memory_space<hbm>> -> memref<16x128xi32, #tpu.memory_space<hbm>>
          tpu.wait_dma2 semaphore(%run_scoped3A : memref<!tpu.dma_semaphore, #tpu.memory_space<semaphore_mem>>) src(%dma_wait3A_120 : memref<16x128xi32, #tpu.memory_space<hbm>>) dst(%arg10 : memref<16x128xi32, #tpu.memory_space<vmem>>)
          tpu.yield
        }) : () -> ()
      } else {
      }
      %jit3A_53 = arith.constant 8 : i32
      %eq3A_54 = arith.constant 0 : i32
      %eq3A_55 = arith.cmpi eq, %jit3A_53, %eq3A_54 : i32
      %jit3A_56 = arith.constant 1 : i32
      %select_n3A_57 = arith.select %eq3A_55, %jit3A_56, %jit3A_53 : i32
      %rem3A_58 = arith.remsi %add3A_31, %select_n3A_57 : i32
      %ne3A_59 = arith.constant 0 : i32
      %ne3A_60 = arith.cmpi ne, %rem3A_58, %ne3A_59 : i32
      %lt3A_61 = arith.constant 0 : i32
      %lt3A_62 = arith.cmpi slt, %rem3A_58, %lt3A_61 : i32
      %lt3A_63 = arith.constant 0 : i32
      %lt3A_64 = arith.cmpi slt, %select_n3A_57, %lt3A_63 : i32
      %ne3A_65 = arith.xori %lt3A_62, %lt3A_64 : i1
      %and3A_66 = arith.andi %ne3A_65, %ne3A_60 : i1
      %add3A_67 = arith.addi %rem3A_58, %select_n3A_57 : i32
      %select_n3A_68 = arith.select %and3A_66, %add3A_67, %rem3A_58 : i32
      %mul3A_69 = arith.constant 2 : i32
      %mul3A_70 = arith.muli %select_n3A_68, %mul3A_69 : i32
      %add3A_71 = arith.constant 1 : i32
      %add3A_72 = arith.addi %mul3A_70, %add3A_71 : i32
      %eq3A_73 = arith.constant 0 : i32
      %eq3A_74 = arith.cmpi eq, %arg0, %eq3A_73 : i32
      %convert_element_type3A_75 = arith.extui %eq3A_74 : i1 to i32
      %cond3A_76 = arith.constant 0 : i32
      %cond3A_77 = arith.cmpi ne, %convert_element_type3A_75, %cond3A_76 : i32
      scf.if %cond3A_77 {
        %dma_start3A = arith.constant 0 : i32
        %dma_start3A_83 = tpu.memref_slice %arg9[%mul3A_70, %dma_start3A] : memref<16x128xi32, #tpu.memory_space<vmem>> -> memref<1x128xi32, #tpu.memory_space<vmem>>
        %dma_start3A_84 = tpu.memref_squeeze %dma_start3A_83 : memref<1x128xi32, #tpu.memory_space<vmem>> -> memref<128xi32, #tpu.memory_space<vmem>>
        %dma_start3A_85 = arith.constant 0 : i32
        %dma_start3A_86 = arith.constant 0 : i32
        %dma_start3A_87 = tpu.memref_slice %arg2[%dma_start3A_85, %dma_start3A_86] : memref<10000x128xf32, #tpu.memory_space<hbm>> -> memref<10000x128xf32, #tpu.memory_space<hbm>>
        tpu.enqueue_indirect_dma source(%dma_start3A_87 : memref<10000x128xf32, #tpu.memory_space<hbm>>) target(%arg11 : memref<128x128xf32, #tpu.memory_space<vmem>>) offsets(%dma_start3A_84 : memref<128xi32, #tpu.memory_space<vmem>>) semaphore(%arg14 : memref<!tpu.dma_semaphore, #tpu.memory_space<semaphore_mem>>)
        %dma_start3A_88 = arith.constant 0 : i32
        %dma_start3A_89 = tpu.memref_slice %arg9[%add3A_72, %dma_start3A_88] : memref<16x128xi32, #tpu.memory_space<vmem>> -> memref<1x128xi32, #tpu.memory_space<vmem>>
        %dma_start3A_90 = tpu.memref_squeeze %dma_start3A_89 : memref<1x128xi32, #tpu.memory_space<vmem>> -> memref<128xi32, #tpu.memory_space<vmem>>
        %dma_start3A_91 = arith.constant 0 : i32
        %dma_start3A_92 = arith.constant 0 : i32
        %dma_start3A_93 = tpu.memref_slice %arg2[%dma_start3A_91, %dma_start3A_92] : memref<10000x128xf32, #tpu.memory_space<hbm>> -> memref<10000x128xf32, #tpu.memory_space<hbm>>
        tpu.enqueue_indirect_dma source(%dma_start3A_93 : memref<10000x128xf32, #tpu.memory_space<hbm>>) target(%arg12 : memref<128x128xf32, #tpu.memory_space<vmem>>) offsets(%dma_start3A_90 : memref<128xi32, #tpu.memory_space<vmem>>) semaphore(%arg15 : memref<!tpu.dma_semaphore, #tpu.memory_space<semaphore_mem>>)
        %dma_wait3A_94 = arith.constant 0 : i32
        %dma_wait3A_95 = tpu.memref_slice %arg9[%mul3A_70, %dma_wait3A_94] : memref<16x128xi32, #tpu.memory_space<vmem>> -> memref<1x128xi32, #tpu.memory_space<vmem>>
        %dma_wait3A_96 = tpu.memref_squeeze %dma_wait3A_95 : memref<1x128xi32, #tpu.memory_space<vmem>> -> memref<128xi32, #tpu.memory_space<vmem>>
        %dma_wait3A_97 = arith.constant 0 : i32
        %dma_wait3A_98 = arith.constant 0 : i32
        %dma_wait3A_99 = tpu.memref_slice %arg2[%dma_wait3A_97, %dma_wait3A_98] : memref<10000x128xf32, #tpu.memory_space<hbm>> -> memref<10000x128xf32, #tpu.memory_space<hbm>>
        tpu.wait_indirect_dma semaphore(%arg14 : memref<!tpu.dma_semaphore, #tpu.memory_space<semaphore_mem>>) src(%dma_wait3A_99 : memref<10000x128xf32, #tpu.memory_space<hbm>>) dst(%arg11 : memref<128x128xf32, #tpu.memory_space<vmem>>)
        %dma_start3A_100 = arith.constant 0 : i32
        %dma_start3A_101 = tpu.memref_slice %arg10[%mul3A_70, %dma_start3A_100] : memref<16x128xi32, #tpu.memory_space<vmem>> -> memref<1x128xi32, #tpu.memory_space<vmem>>
        %dma_start3A_102 = tpu.memref_squeeze %dma_start3A_101 : memref<1x128xi32, #tpu.memory_space<vmem>> -> memref<128xi32, #tpu.memory_space<vmem>>
        %dma_start3A_103 = arith.constant 0 : i32
        %dma_start3A_104 = arith.constant 0 : i32
        %dma_start3A_105 = tpu.memref_slice %arg13[%dma_start3A_103, %dma_start3A_104] : memref<10112x128xf32, #tpu.memory_space<vmem_shared>> -> memref<10112x128xf32, #tpu.memory_space<vmem_shared>>
        tpu.enqueue_indirect_dma source(%arg11 : memref<128x128xf32, #tpu.memory_space<vmem>>) target(%dma_start3A_105 : memref<10112x128xf32, #tpu.memory_space<vmem_shared>>) offsets(%dma_start3A_102 : memref<128xi32, #tpu.memory_space<vmem>>) semaphore(%arg16 : memref<!tpu.dma_semaphore, #tpu.memory_space<semaphore_mem>>) {add = true}
        %dma_wait3A_106 = arith.constant 0 : i32
        %dma_wait3A_107 = tpu.memref_slice %arg9[%add3A_72, %dma_wait3A_106] : memref<16x128xi32, #tpu.memory_space<vmem>> -> memref<1x128xi32, #tpu.memory_space<vmem>>
        %dma_wait3A_108 = tpu.memref_squeeze %dma_wait3A_107 : memref<1x128xi32, #tpu.memory_space<vmem>> -> memref<128xi32, #tpu.memory_space<vmem>>
        %dma_wait3A_109 = arith.constant 0 : i32
        %dma_wait3A_110 = arith.constant 0 : i32
        %dma_wait3A_111 = tpu.memref_slice %arg2[%dma_wait3A_109, %dma_wait3A_110] : memref<10000x128xf32, #tpu.memory_space<hbm>> -> memref<10000x128xf32, #tpu.memory_space<hbm>>
        tpu.wait_indirect_dma semaphore(%arg15 : memref<!tpu.dma_semaphore, #tpu.memory_space<semaphore_mem>>) src(%dma_wait3A_111 : memref<10000x128xf32, #tpu.memory_space<hbm>>) dst(%arg12 : memref<128x128xf32, #tpu.memory_space<vmem>>)
        %dma_start3A_112 = arith.constant 0 : i32
        %dma_start3A_113 = tpu.memref_slice %arg10[%add3A_72, %dma_start3A_112] : memref<16x128xi32, #tpu.memory_space<vmem>> -> memref<1x128xi32, #tpu.memory_space<vmem>>
        %dma_start3A_114 = tpu.memref_squeeze %dma_start3A_113 : memref<1x128xi32, #tpu.memory_space<vmem>> -> memref<128xi32, #tpu.memory_space<vmem>>
        %dma_start3A_115 = arith.constant 0 : i32
        %dma_start3A_116 = arith.constant 0 : i32
        %dma_start3A_117 = tpu.memref_slice %arg13[%dma_start3A_115, %dma_start3A_116] : memref<10112x128xf32, #tpu.memory_space<vmem_shared>> -> memref<10112x128xf32, #tpu.memory_space<vmem_shared>>
        tpu.enqueue_indirect_dma source(%arg12 : memref<128x128xf32, #tpu.memory_space<vmem>>) target(%dma_start3A_117 : memref<10112x128xf32, #tpu.memory_space<vmem_shared>>) offsets(%dma_start3A_114 : memref<128xi32, #tpu.memory_space<vmem>>) semaphore(%arg17 : memref<!tpu.dma_semaphore, #tpu.memory_space<semaphore_mem>>) {add = true}
      } else {
      }
      %eq3A_78 = arith.constant 1 : i32
      %eq3A_79 = arith.cmpi eq, %arg0, %eq3A_78 : i32
      %convert_element_type3A_80 = arith.extui %eq3A_79 : i1 to i32
      %cond3A_81 = arith.constant 0 : i32
      %cond3A_82 = arith.cmpi ne, %convert_element_type3A_80, %cond3A_81 : i32
      scf.if %cond3A_82 {
        %dma_start3A = arith.constant 0 : i32
        %dma_start3A_83 = tpu.memref_slice %arg9[%mul3A_70, %dma_start3A] : memref<16x128xi32, #tpu.memory_space<vmem>> -> memref<1x128xi32, #tpu.memory_space<vmem>>
        %dma_start3A_84 = tpu.memref_squeeze %dma_start3A_83 : memref<1x128xi32, #tpu.memory_space<vmem>> -> memref<128xi32, #tpu.memory_space<vmem>>
        %dma_start3A_85 = arith.constant 0 : i32
        %dma_start3A_86 = arith.constant 0 : i32
        %dma_start3A_87 = tpu.memref_slice %arg3[%dma_start3A_85, %dma_start3A_86] : memref<10000x128xf32, #tpu.memory_space<hbm>> -> memref<10000x128xf32, #tpu.memory_space<hbm>>
        tpu.enqueue_indirect_dma source(%dma_start3A_87 : memref<10000x128xf32, #tpu.memory_space<hbm>>) target(%arg11 : memref<128x128xf32, #tpu.memory_space<vmem>>) offsets(%dma_start3A_84 : memref<128xi32, #tpu.memory_space<vmem>>) semaphore(%arg14 : memref<!tpu.dma_semaphore, #tpu.memory_space<semaphore_mem>>)
        %dma_start3A_88 = arith.constant 0 : i32
        %dma_start3A_89 = tpu.memref_slice %arg9[%add3A_72, %dma_start3A_88] : memref<16x128xi32, #tpu.memory_space<vmem>> -> memref<1x128xi32, #tpu.memory_space<vmem>>
        %dma_start3A_90 = tpu.memref_squeeze %dma_start3A_89 : memref<1x128xi32, #tpu.memory_space<vmem>> -> memref<128xi32, #tpu.memory_space<vmem>>
        %dma_start3A_91 = arith.constant 0 : i32
        %dma_start3A_92 = arith.constant 0 : i32
        %dma_start3A_93 = tpu.memref_slice %arg3[%dma_start3A_91, %dma_start3A_92] : memref<10000x128xf32, #tpu.memory_space<hbm>> -> memref<10000x128xf32, #tpu.memory_space<hbm>>
        tpu.enqueue_indirect_dma source(%dma_start3A_93 : memref<10000x128xf32, #tpu.memory_space<hbm>>) target(%arg12 : memref<128x128xf32, #tpu.memory_space<vmem>>) offsets(%dma_start3A_90 : memref<128xi32, #tpu.memory_space<vmem>>) semaphore(%arg15 : memref<!tpu.dma_semaphore, #tpu.memory_space<semaphore_mem>>)
        %dma_wait3A_94 = arith.constant 0 : i32
        %dma_wait3A_95 = tpu.memref_slice %arg9[%mul3A_70, %dma_wait3A_94] : memref<16x128xi32, #tpu.memory_space<vmem>> -> memref<1x128xi32, #tpu.memory_space<vmem>>
        %dma_wait3A_96 = tpu.memref_squeeze %dma_wait3A_95 : memref<1x128xi32, #tpu.memory_space<vmem>> -> memref<128xi32, #tpu.memory_space<vmem>>
        %dma_wait3A_97 = arith.constant 0 : i32
        %dma_wait3A_98 = arith.constant 0 : i32
        %dma_wait3A_99 = tpu.memref_slice %arg3[%dma_wait3A_97, %dma_wait3A_98] : memref<10000x128xf32, #tpu.memory_space<hbm>> -> memref<10000x128xf32, #tpu.memory_space<hbm>>
        tpu.wait_indirect_dma semaphore(%arg14 : memref<!tpu.dma_semaphore, #tpu.memory_space<semaphore_mem>>) src(%dma_wait3A_99 : memref<10000x128xf32, #tpu.memory_space<hbm>>) dst(%arg11 : memref<128x128xf32, #tpu.memory_space<vmem>>)
        %dma_start3A_100 = arith.constant 0 : i32
        %dma_start3A_101 = tpu.memref_slice %arg10[%mul3A_70, %dma_start3A_100] : memref<16x128xi32, #tpu.memory_space<vmem>> -> memref<1x128xi32, #tpu.memory_space<vmem>>
        %dma_start3A_102 = tpu.memref_squeeze %dma_start3A_101 : memref<1x128xi32, #tpu.memory_space<vmem>> -> memref<128xi32, #tpu.memory_space<vmem>>
        %dma_start3A_103 = arith.constant 0 : i32
        %dma_start3A_104 = arith.constant 0 : i32
        %dma_start3A_105 = tpu.memref_slice %arg13[%dma_start3A_103, %dma_start3A_104] : memref<10112x128xf32, #tpu.memory_space<vmem_shared>> -> memref<10112x128xf32, #tpu.memory_space<vmem_shared>>
        tpu.enqueue_indirect_dma source(%arg11 : memref<128x128xf32, #tpu.memory_space<vmem>>) target(%dma_start3A_105 : memref<10112x128xf32, #tpu.memory_space<vmem_shared>>) offsets(%dma_start3A_102 : memref<128xi32, #tpu.memory_space<vmem>>) semaphore(%arg16 : memref<!tpu.dma_semaphore, #tpu.memory_space<semaphore_mem>>) {add = true}
        %dma_wait3A_106 = arith.constant 0 : i32
        %dma_wait3A_107 = tpu.memref_slice %arg9[%add3A_72, %dma_wait3A_106] : memref<16x128xi32, #tpu.memory_space<vmem>> -> memref<1x128xi32, #tpu.memory_space<vmem>>
        %dma_wait3A_108 = tpu.memref_squeeze %dma_wait3A_107 : memref<1x128xi32, #tpu.memory_space<vmem>> -> memref<128xi32, #tpu.memory_space<vmem>>
        %dma_wait3A_109 = arith.constant 0 : i32
        %dma_wait3A_110 = arith.constant 0 : i32
        %dma_wait3A_111 = tpu.memref_slice %arg3[%dma_wait3A_109, %dma_wait3A_110] : memref<10000x128xf32, #tpu.memory_space<hbm>> -> memref<10000x128xf32, #tpu.memory_space<hbm>>
        tpu.wait_indirect_dma semaphore(%arg15 : memref<!tpu.dma_semaphore, #tpu.memory_space<semaphore_mem>>) src(%dma_wait3A_111 : memref<10000x128xf32, #tpu.memory_space<hbm>>) dst(%arg12 : memref<128x128xf32, #tpu.memory_space<vmem>>)
        %dma_start3A_112 = arith.constant 0 : i32
        %dma_start3A_113 = tpu.memref_slice %arg10[%add3A_72, %dma_start3A_112] : memref<16x128xi32, #tpu.memory_space<vmem>> -> memref<1x128xi32, #tpu.memory_space<vmem>>
        %dma_start3A_114 = tpu.memref_squeeze %dma_start3A_113 : memref<1x128xi32, #tpu.memory_space<vmem>> -> memref<128xi32, #tpu.memory_space<vmem>>
        %dma_start3A_115 = arith.constant 0 : i32
        %dma_start3A_116 = arith.constant 0 : i32
        %dma_start3A_117 = tpu.memref_slice %arg13[%dma_start3A_115, %dma_start3A_116] : memref<10112x128xf32, #tpu.memory_space<vmem_shared>> -> memref<10112x128xf32, #tpu.memory_space<vmem_shared>>
        tpu.enqueue_indirect_dma source(%arg12 : memref<128x128xf32, #tpu.memory_space<vmem>>) target(%dma_start3A_117 : memref<10112x128xf32, #tpu.memory_space<vmem_shared>>) offsets(%dma_start3A_114 : memref<128xi32, #tpu.memory_space<vmem>>) semaphore(%arg17 : memref<!tpu.dma_semaphore, #tpu.memory_space<semaphore_mem>>) {add = true}
      } else {
      }
    }
    %scan3A_4 = arith.constant 80 : i32
    %dma_wait3A = arith.constant 0 : i32
    %dma_wait3A_5 = arith.constant 0 : i32
    %dma_wait3A_6 = tpu.memref_slice %arg2[%dma_wait3A, %dma_wait3A_5] : memref<10000x128xf32, #tpu.memory_space<hbm>> -> memref<128x128xf32, #tpu.memory_space<hbm>>
    %dma_wait3A_7 = arith.constant 0 : i32
    %dma_wait3A_8 = arith.constant 0 : i32
    %dma_wait3A_9 = tpu.memref_slice %arg2[%dma_wait3A_7, %dma_wait3A_8] : memref<10000x128xf32, #tpu.memory_space<hbm>> -> memref<128x128xf32, #tpu.memory_space<hbm>>
    tpu.wait_dma2 semaphore(%arg16 : memref<!tpu.dma_semaphore, #tpu.memory_space<semaphore_mem>>) src(%dma_wait3A_9 : memref<128x128xf32, #tpu.memory_space<hbm>>) dst(%arg11 : memref<128x128xf32, #tpu.memory_space<vmem>>)
    %dma_wait3A_10 = arith.constant 0 : i32
    %dma_wait3A_11 = arith.constant 0 : i32
    %dma_wait3A_12 = tpu.memref_slice %arg2[%dma_wait3A_10, %dma_wait3A_11] : memref<10000x128xf32, #tpu.memory_space<hbm>> -> memref<128x128xf32, #tpu.memory_space<hbm>>
    %dma_wait3A_13 = arith.constant 0 : i32
    %dma_wait3A_14 = arith.constant 0 : i32
    %dma_wait3A_15 = tpu.memref_slice %arg2[%dma_wait3A_13, %dma_wait3A_14] : memref<10000x128xf32, #tpu.memory_space<hbm>> -> memref<128x128xf32, #tpu.memory_space<hbm>>
    tpu.wait_dma2 semaphore(%arg17 : memref<!tpu.dma_semaphore, #tpu.memory_space<semaphore_mem>>) src(%dma_wait3A_15 : memref<128x128xf32, #tpu.memory_space<hbm>>) dst(%arg12 : memref<128x128xf32, #tpu.memory_space<vmem>>)
    %barrier3A_16 = arith.constant 0 : index
    tpu.barrier barrier_id(%barrier3A_16)
    %eq3A = arith.constant 0 : i32
    %eq3A_17 = arith.cmpi eq, %arg0, %eq3A : i32
    %lt3A = arith.constant 10 : i32
    %lt3A_18 = arith.cmpi slt, %arg1, %lt3A : i32
    %and3A = arith.andi %eq3A_17, %lt3A_18 : i1
    %convert_element_type3A = arith.extui %and3A : i1 to i32
    %cond3A = arith.constant 0 : i32
    %cond3A_19 = arith.cmpi ne, %convert_element_type3A, %cond3A : i32
    scf.if %cond3A_19 {
      %mul3A_28 = arith.constant 1000 : i32
      %mul3A_29 = arith.muli %arg1, %mul3A_28 : i32
      %mul3A_30 = arith.constant 1000 : i32
      %mul3A_31 = arith.muli %arg1, %mul3A_30 : i32
      "tpu.region"() ({
        %run_scoped3A = tpu.sem_alloc : memref<!tpu.dma_semaphore, #tpu.memory_space<semaphore_mem>>
        %dma_start3A = arith.constant 0 : i32
        %dma_start3A_32 = tpu.memref_slice %arg7[%mul3A_31, %dma_start3A] : memref<10000x128xf32, #tpu.memory_space<hbm>> -> memref<1000x128xf32, #tpu.memory_space<hbm>>
        %dma_start3A_33 = arith.constant 0 : i32
        %dma_start3A_34 = tpu.memref_slice %arg13[%mul3A_29, %dma_start3A_33] : memref<10112x128xf32, #tpu.memory_space<vmem_shared>> -> memref<1000x128xf32, #tpu.memory_space<vmem_shared>>
        tpu.enqueue_dma source(%dma_start3A_34 : memref<1000x128xf32, #tpu.memory_space<vmem_shared>>) target(%dma_start3A_32 : memref<1000x128xf32, #tpu.memory_space<hbm>>) target_semaphore(%run_scoped3A : memref<!tpu.dma_semaphore, #tpu.memory_space<semaphore_mem>>)
        %dma_wait3A_35 = arith.constant 0 : i32
        %dma_wait3A_36 = tpu.memref_slice %arg7[%mul3A_31, %dma_wait3A_35] : memref<10000x128xf32, #tpu.memory_space<hbm>> -> memref<1000x128xf32, #tpu.memory_space<hbm>>
        %dma_wait3A_37 = arith.constant 0 : i32
        %dma_wait3A_38 = tpu.memref_slice %arg13[%mul3A_29, %dma_wait3A_37] : memref<10112x128xf32, #tpu.memory_space<vmem_shared>> -> memref<1000x128xf32, #tpu.memory_space<vmem_shared>>
        tpu.wait_dma2 semaphore(%run_scoped3A : memref<!tpu.dma_semaphore, #tpu.memory_space<semaphore_mem>>) src(%dma_wait3A_38 : memref<1000x128xf32, #tpu.memory_space<vmem_shared>>) dst(%dma_wait3A_36 : memref<1000x128xf32, #tpu.memory_space<hbm>>)
        tpu.yield
      }) : () -> ()
    } else {
    }
    %eq3A_20 = arith.constant 1 : i32
    %eq3A_21 = arith.cmpi eq, %arg0, %eq3A_20 : i32
    %lt3A_22 = arith.constant 10 : i32
    %lt3A_23 = arith.cmpi slt, %arg1, %lt3A_22 : i32
    %and3A_24 = arith.andi %eq3A_21, %lt3A_23 : i1
    %convert_element_type3A_25 = arith.extui %and3A_24 : i1 to i32
    %cond3A_26 = arith.constant 0 : i32
    %cond3A_27 = arith.cmpi ne, %convert_element_type3A_25, %cond3A_26 : i32
    scf.if %cond3A_27 {
      %mul3A_28 = arith.constant 1000 : i32
      %mul3A_29 = arith.muli %arg1, %mul3A_28 : i32
      %mul3A_30 = arith.constant 1000 : i32
      %mul3A_31 = arith.muli %arg1, %mul3A_30 : i32
      "tpu.region"() ({
        %run_scoped3A = tpu.sem_alloc : memref<!tpu.dma_semaphore, #tpu.memory_space<semaphore_mem>>
        %dma_start3A = arith.constant 0 : i32
        %dma_start3A_32 = tpu.memref_slice %arg8[%mul3A_31, %dma_start3A] : memref<10000x128xf32, #tpu.memory_space<hbm>> -> memref<1000x128xf32, #tpu.memory_space<hbm>>
        %dma_start3A_33 = arith.constant 0 : i32
        %dma_start3A_34 = tpu.memref_slice %arg13[%mul3A_29, %dma_start3A_33] : memref<10112x128xf32, #tpu.memory_space<vmem_shared>> -> memref<1000x128xf32, #tpu.memory_space<vmem_shared>>
        tpu.enqueue_dma source(%dma_start3A_34 : memref<1000x128xf32, #tpu.memory_space<vmem_shared>>) target(%dma_start3A_32 : memref<1000x128xf32, #tpu.memory_space<hbm>>) target_semaphore(%run_scoped3A : memref<!tpu.dma_semaphore, #tpu.memory_space<semaphore_mem>>)
        %dma_wait3A_35 = arith.constant 0 : i32
        %dma_wait3A_36 = tpu.memref_slice %arg8[%mul3A_31, %dma_wait3A_35] : memref<10000x128xf32, #tpu.memory_space<hbm>> -> memref<1000x128xf32, #tpu.memory_space<hbm>>
        %dma_wait3A_37 = arith.constant 0 : i32
        %dma_wait3A_38 = tpu.memref_slice %arg13[%mul3A_29, %dma_wait3A_37] : memref<10112x128xf32, #tpu.memory_space<vmem_shared>> -> memref<1000x128xf32, #tpu.memory_space<vmem_shared>>
        tpu.wait_dma2 semaphore(%run_scoped3A : memref<!tpu.dma_semaphore, #tpu.memory_space<semaphore_mem>>) src(%dma_wait3A_38 : memref<1000x128xf32, #tpu.memory_space<vmem_shared>>) dst(%dma_wait3A_36 : memref<1000x128xf32, #tpu.memory_space<hbm>>)
        tpu.yield
      }) : () -> ()
    } else {
    }
    return
  }
}

#map = affine_map<(d0, d1) -> (0, 0)>
module attributes {stable_mosaic.version = 14 : i64} {
  func.func @kern(%arg0: i32, %arg1: i32, %arg2: memref<10000x128xf32, #tpu.memory_space<hbm>>, %arg3: memref<10000x128xf32, #tpu.memory_space<hbm>>, %arg4: memref<2560x128xi32, #tpu.memory_space<hbm>>, %arg5: memref<2560x128xi32, #tpu.memory_space<hbm>>, %arg6: memref<632x128xf32, #tpu.memory_space<hbm>>, %arg7: memref<10000x128xf32, #tpu.memory_space<hbm>>, %arg8: memref<10000x128xf32, #tpu.memory_space<hbm>>, %arg9: memref<16x128xi32, #tpu.memory_space<vmem>>, %arg10: memref<16x128xi32, #tpu.memory_space<vmem>>, %arg11: memref<128x128xf32, #tpu.memory_space<vmem>>, %arg12: memref<128x128xf32, #tpu.memory_space<vmem>>, %arg13: memref<10112x128xf32, #tpu.memory_space<vmem_shared>>, %arg14: memref<!tpu.dma_semaphore, #tpu.memory_space<semaphore_mem>>, %arg15: memref<!tpu.dma_semaphore, #tpu.memory_space<semaphore_mem>>, %arg16: memref<!tpu.dma_semaphore, #tpu.memory_space<semaphore_mem>>, %arg17: memref<!tpu.dma_semaphore, #tpu.memory_space<semaphore_mem>>) attributes {dimension_semantics = [#tpu.dimension_semantics<core_parallel>, #tpu.dimension_semantics<subcore_parallel>], iteration_bounds = array<i64: 2, 16>, scalar_prefetch = 0 : i64, scratch_operands = 9 : i64, tpu.core_type = #tpu.core_type<sc_vector_subcore>, window_params = [{transform_indices = #map}, {transform_indices = #map}, {transform_indices = #map}, {transform_indices = #map}, {transform_indices = #map}, {transform_indices = #map}, {transform_indices = #map}]} {
    %mul3A = arith.constant 632 : i32
    %mul3A_0 = arith.muli %arg1, %mul3A : i32
    "tpu.region"() ({
      %run_scoped3A = tpu.sem_alloc : memref<!tpu.dma_semaphore, #tpu.memory_space<semaphore_mem>>
      %dma_start3A = arith.constant 0 : i32
      %dma_start3A_28 = tpu.memref_slice %arg13[%mul3A_0, %dma_start3A] : memref<10112x128xf32, #tpu.memory_space<vmem_shared>> -> memref<632x128xf32, #tpu.memory_space<vmem_shared>>
      tpu.enqueue_dma source(%arg6 : memref<632x128xf32, #tpu.memory_space<hbm>>) target(%dma_start3A_28 : memref<632x128xf32, #tpu.memory_space<vmem_shared>>) target_semaphore(%run_scoped3A : memref<!tpu.dma_semaphore, #tpu.memory_space<semaphore_mem>>)
      %dma_wait3A_29 = arith.constant 0 : i32
      %dma_wait3A_30 = tpu.memref_slice %arg13[%mul3A_0, %dma_wait3A_29] : memref<10112x128xf32, #tpu.memory_space<vmem_shared>> -> memref<632x128xf32, #tpu.memory_space<vmem_shared>>
      tpu.wait_dma2 semaphore(%run_scoped3A : memref<!tpu.dma_semaphore, #tpu.memory_space<semaphore_mem>>) src(%arg6 : memref<632x128xf32, #tpu.memory_space<hbm>>) dst(%dma_wait3A_30 : memref<632x128xf32, #tpu.memory_space<vmem_shared>>)
      tpu.yield
    }) : () -> ()
    %barrier3A = arith.constant 0 : index
    tpu.barrier barrier_id(%barrier3A)
    %scan3A = arith.constant 0 : i32
    %scan3A_1 = arith.constant 80 : i32
    %scan3A_2 = arith.addi %scan3A, %scan3A_1 : i32
    %scan3A_3 = arith.constant 1 : i32
    scf.for %scan3A_28 = %scan3A to %scan3A_2 step %scan3A_3  : i32 {
      %mul3A_29 = arith.constant 1 : i32
      %mul3A_30 = arith.muli %scan3A_28, %mul3A_29 : i32
      %add3A = arith.constant 0 : i32
      %add3A_31 = arith.addi %add3A, %mul3A_30 : i32
      %gt3A = arith.constant 0 : i32
      %gt3A_32 = arith.cmpi sgt, %add3A_31, %gt3A : i32
      %convert_element_type3A_33 = arith.extui %gt3A_32 : i1 to i32
      %cond3A_34 = arith.constant 0 : i32
      %cond3A_35 = arith.cmpi ne, %convert_element_type3A_33, %cond3A_34 : i32
      scf.if %cond3A_35 {
        %dma_wait3A_83 = arith.constant 0 : i32
        %dma_wait3A_84 = arith.constant 0 : i32
        %dma_wait3A_85 = tpu.memref_slice %arg2[%dma_wait3A_83, %dma_wait3A_84] : memref<10000x128xf32, #tpu.memory_space<hbm>> -> memref<128x128xf32, #tpu.memory_space<hbm>>
        %dma_wait3A_86 = arith.constant 0 : i32
        %dma_wait3A_87 = arith.constant 0 : i32
        %dma_wait3A_88 = tpu.memref_slice %arg2[%dma_wait3A_86, %dma_wait3A_87] : memref<10000x128xf32, #tpu.memory_space<hbm>> -> memref<128x128xf32, #tpu.memory_space<hbm>>
        tpu.wait_dma2 semaphore(%arg16 : memref<!tpu.dma_semaphore, #tpu.memory_space<semaphore_mem>>) src(%dma_wait3A_88 : memref<128x128xf32, #tpu.memory_space<hbm>>) dst(%arg11 : memref<128x128xf32, #tpu.memory_space<vmem>>)
        %dma_wait3A_89 = arith.constant 0 : i32
        %dma_wait3A_90 = arith.constant 0 : i32
        %dma_wait3A_91 = tpu.memref_slice %arg2[%dma_wait3A_89, %dma_wait3A_90] : memref<10000x128xf32, #tpu.memory_space<hbm>> -> memref<128x128xf32, #tpu.memory_space<hbm>>
        %dma_wait3A_92 = arith.constant 0 : i32
        %dma_wait3A_93 = arith.constant 0 : i32
        %dma_wait3A_94 = tpu.memref_slice %arg2[%dma_wait3A_92, %dma_wait3A_93] : memref<10000x128xf32, #tpu.memory_space<hbm>> -> memref<128x128xf32, #tpu.memory_space<hbm>>
        tpu.wait_dma2 semaphore(%arg17 : memref<!tpu.dma_semaphore, #tpu.memory_space<semaphore_mem>>) src(%dma_wait3A_94 : memref<128x128xf32, #tpu.memory_space<hbm>>) dst(%arg12 : memref<128x128xf32, #tpu.memory_space<vmem>>)
      } else {
      }
      %jit3A = arith.constant 8 : i32
      %eq3A_36 = arith.constant 0 : i32
      %eq3A_37 = arith.cmpi eq, %jit3A, %eq3A_36 : i32
      %jit3A_38 = arith.constant 1 : i32
      %select_n3A = arith.select %eq3A_37, %jit3A_38, %jit3A : i32
      %rem3A = arith.remsi %add3A_31, %select_n3A : i32
      %ne3A = arith.constant 0 : i32
      %ne3A_39 = arith.cmpi ne, %rem3A, %ne3A : i32
      %lt3A_40 = arith.constant 0 : i32
      %lt3A_41 = arith.cmpi slt, %rem3A, %lt3A_40 : i32
      %lt3A_42 = arith.constant 0 : i32
      %lt3A_43 = arith.cmpi slt, %select_n3A, %lt3A_42 : i32
      %ne3A_44 = arith.xori %lt3A_41, %lt3A_43 : i1
      %and3A_45 = arith.andi %ne3A_44, %ne3A_39 : i1
      %add3A_46 = arith.addi %rem3A, %select_n3A : i32
      %select_n3A_47 = arith.select %and3A_45, %add3A_46, %rem3A : i32
      %eq3A_48 = arith.constant 0 : i32
      %eq3A_49 = arith.cmpi eq, %select_n3A_47, %eq3A_48 : i32
      %convert_element_type3A_50 = arith.extui %eq3A_49 : i1 to i32
      %cond3A_51 = arith.constant 0 : i32
      %cond3A_52 = arith.cmpi ne, %convert_element_type3A_50, %cond3A_51 : i32
      scf.if %cond3A_52 {
        %jit3A_83 = arith.constant 8 : i32
        %div3A = arith.divsi %add3A_31, %jit3A_83 : i32
        %sign3A = arith.constant 0 : i32
        %sign3A_84 = arith.cmpi sgt, %add3A_31, %sign3A : i32
        %sign3A_85 = arith.extui %sign3A_84 : i1 to i32
        %sign3A_86 = arith.constant 0 : i32
        %sign3A_87 = arith.cmpi slt, %add3A_31, %sign3A_86 : i32
        %sign3A_88 = arith.extui %sign3A_87 : i1 to i32
        %sign3A_89 = arith.subi %sign3A_85, %sign3A_88 : i32
        %sign3A_90 = arith.constant 0 : i32
        %sign3A_91 = arith.cmpi sgt, %jit3A_83, %sign3A_90 : i32
        %sign3A_92 = arith.extui %sign3A_91 : i1 to i32
        %sign3A_93 = arith.constant 0 : i32
        %sign3A_94 = arith.cmpi slt, %jit3A_83, %sign3A_93 : i32
        %sign3A_95 = arith.extui %sign3A_94 : i1 to i32
        %sign3A_96 = arith.subi %sign3A_92, %sign3A_95 : i32
        %ne3A_97 = arith.cmpi ne, %sign3A_89, %sign3A_96 : i32
        %rem3A_98 = arith.remsi %add3A_31, %jit3A_83 : i32
        %ne3A_99 = arith.constant 0 : i32
        %ne3A_100 = arith.cmpi ne, %rem3A_98, %ne3A_99 : i32
        %and3A_101 = arith.andi %ne3A_97, %ne3A_100 : i1
        %sub3A = arith.constant 1 : i32
        %sub3A_102 = arith.subi %div3A, %sub3A : i32
        %select_n3A_103 = arith.select %and3A_101, %sub3A_102, %div3A : i32
        %mul3A_104 = arith.constant 160 : i32
        %mul3A_105 = arith.muli %arg1, %mul3A_104 : i32
        %mul3A_106 = arith.constant 16 : i32
        %mul3A_107 = arith.muli %select_n3A_103, %mul3A_106 : i32
        %add3A_108 = arith.addi %mul3A_105, %mul3A_107 : i32
        "tpu.region"() ({
          %run_scoped3A = tpu.sem_alloc : memref<!tpu.dma_semaphore, #tpu.memory_space<semaphore_mem>>
          %dma_start3A = arith.constant 0 : i32
          %dma_start3A_114 = tpu.memref_slice %arg4[%add3A_108, %dma_start3A] : memref<2560x128xi32, #tpu.memory_space<hbm>> -> memref<16x128xi32, #tpu.memory_space<hbm>>
          %dma_start3A_115 = arith.constant 0 : i32
          %dma_start3A_116 = tpu.memref_slice %arg4[%add3A_108, %dma_start3A_115] : memref<2560x128xi32, #tpu.memory_space<hbm>> -> memref<16x128xi32, #tpu.memory_space<hbm>>
          tpu.enqueue_dma source(%dma_start3A_116 : memref<16x128xi32, #tpu.memory_space<hbm>>) target(%arg9 : memref<16x128xi32, #tpu.memory_space<vmem>>) target_semaphore(%run_scoped3A : memref<!tpu.dma_semaphore, #tpu.memory_space<semaphore_mem>>)
          %dma_wait3A_117 = arith.constant 0 : i32
          %dma_wait3A_118 = tpu.memref_slice %arg4[%add3A_108, %dma_wait3A_117] : memref<2560x128xi32, #tpu.memory_space<hbm>> -> memref<16x128xi32, #tpu.memory_space<hbm>>
          %dma_wait3A_119 = arith.constant 0 : i32
          %dma_wait3A_120 = tpu.memref_slice %arg4[%add3A_108, %dma_wait3A_119] : memref<2560x128xi32, #tpu.memory_space<hbm>> -> memref<16x128xi32, #tpu.memory_space<hbm>>
          tpu.wait_dma2 semaphore(%run_scoped3A : memref<!tpu.dma_semaphore, #tpu.memory_space<semaphore_mem>>) src(%dma_wait3A_120 : memref<16x128xi32, #tpu.memory_space<hbm>>) dst(%arg9 : memref<16x128xi32, #tpu.memory_space<vmem>>)
          tpu.yield
        }) : () -> ()
        %mul3A_109 = arith.constant 160 : i32
        %mul3A_110 = arith.muli %arg1, %mul3A_109 : i32
        %mul3A_111 = arith.constant 16 : i32
        %mul3A_112 = arith.muli %select_n3A_103, %mul3A_111 : i32
        %add3A_113 = arith.addi %mul3A_110, %mul3A_112 : i32
        "tpu.region"() ({
          %run_scoped3A = tpu.sem_alloc : memref<!tpu.dma_semaphore, #tpu.memory_space<semaphore_mem>>
          %dma_start3A = arith.constant 0 : i32
          %dma_start3A_114 = tpu.memref_slice %arg5[%add3A_113, %dma_start3A] : memref<2560x128xi32, #tpu.memory_space<hbm>> -> memref<16x128xi32, #tpu.memory_space<hbm>>
          %dma_start3A_115 = arith.constant 0 : i32
          %dma_start3A_116 = tpu.memref_slice %arg5[%add3A_113, %dma_start3A_115] : memref<2560x128xi32, #tpu.memory_space<hbm>> -> memref<16x128xi32, #tpu.memory_space<hbm>>
          tpu.enqueue_dma source(%dma_start3A_116 : memref<16x128xi32, #tpu.memory_space<hbm>>) target(%arg10 : memref<16x128xi32, #tpu.memory_space<vmem>>) target_semaphore(%run_scoped3A : memref<!tpu.dma_semaphore, #tpu.memory_space<semaphore_mem>>)
          %dma_wait3A_117 = arith.constant 0 : i32
          %dma_wait3A_118 = tpu.memref_slice %arg5[%add3A_113, %dma_wait3A_117] : memref<2560x128xi32, #tpu.memory_space<hbm>> -> memref<16x128xi32, #tpu.memory_space<hbm>>
          %dma_wait3A_119 = arith.constant 0 : i32
          %dma_wait3A_120 = tpu.memref_slice %arg5[%add3A_113, %dma_wait3A_119] : memref<2560x128xi32, #tpu.memory_space<hbm>> -> memref<16x128xi32, #tpu.memory_space<hbm>>
          tpu.wait_dma2 semaphore(%run_scoped3A : memref<!tpu.dma_semaphore, #tpu.memory_space<semaphore_mem>>) src(%dma_wait3A_120 : memref<16x128xi32, #tpu.memory_space<hbm>>) dst(%arg10 : memref<16x128xi32, #tpu.memory_space<vmem>>)
          tpu.yield
        }) : () -> ()
      } else {
      }
      %jit3A_53 = arith.constant 8 : i32
      %eq3A_54 = arith.constant 0 : i32
      %eq3A_55 = arith.cmpi eq, %jit3A_53, %eq3A_54 : i32
      %jit3A_56 = arith.constant 1 : i32
      %select_n3A_57 = arith.select %eq3A_55, %jit3A_56, %jit3A_53 : i32
      %rem3A_58 = arith.remsi %add3A_31, %select_n3A_57 : i32
      %ne3A_59 = arith.constant 0 : i32
      %ne3A_60 = arith.cmpi ne, %rem3A_58, %ne3A_59 : i32
      %lt3A_61 = arith.constant 0 : i32
      %lt3A_62 = arith.cmpi slt, %rem3A_58, %lt3A_61 : i32
      %lt3A_63 = arith.constant 0 : i32
      %lt3A_64 = arith.cmpi slt, %select_n3A_57, %lt3A_63 : i32
      %ne3A_65 = arith.xori %lt3A_62, %lt3A_64 : i1
      %and3A_66 = arith.andi %ne3A_65, %ne3A_60 : i1
      %add3A_67 = arith.addi %rem3A_58, %select_n3A_57 : i32
      %select_n3A_68 = arith.select %and3A_66, %add3A_67, %rem3A_58 : i32
      %mul3A_69 = arith.constant 2 : i32
      %mul3A_70 = arith.muli %select_n3A_68, %mul3A_69 : i32
      %add3A_71 = arith.constant 1 : i32
      %add3A_72 = arith.addi %mul3A_70, %add3A_71 : i32
      %eq3A_73 = arith.constant 0 : i32
      %eq3A_74 = arith.cmpi eq, %arg0, %eq3A_73 : i32
      %convert_element_type3A_75 = arith.extui %eq3A_74 : i1 to i32
      %cond3A_76 = arith.constant 0 : i32
      %cond3A_77 = arith.cmpi ne, %convert_element_type3A_75, %cond3A_76 : i32
      scf.if %cond3A_77 {
        %dma_start3A = arith.constant 0 : i32
        %dma_start3A_83 = tpu.memref_slice %arg9[%mul3A_70, %dma_start3A] : memref<16x128xi32, #tpu.memory_space<vmem>> -> memref<1x128xi32, #tpu.memory_space<vmem>>
        %dma_start3A_84 = tpu.memref_squeeze %dma_start3A_83 : memref<1x128xi32, #tpu.memory_space<vmem>> -> memref<128xi32, #tpu.memory_space<vmem>>
        %dma_start3A_85 = arith.constant 0 : i32
        %dma_start3A_86 = arith.constant 0 : i32
        %dma_start3A_87 = tpu.memref_slice %arg2[%dma_start3A_85, %dma_start3A_86] : memref<10000x128xf32, #tpu.memory_space<hbm>> -> memref<10000x128xf32, #tpu.memory_space<hbm>>
        tpu.enqueue_indirect_dma source(%dma_start3A_87 : memref<10000x128xf32, #tpu.memory_space<hbm>>) target(%arg11 : memref<128x128xf32, #tpu.memory_space<vmem>>) offsets(%dma_start3A_84 : memref<128xi32, #tpu.memory_space<vmem>>) semaphore(%arg14 : memref<!tpu.dma_semaphore, #tpu.memory_space<semaphore_mem>>)
        %dma_start3A_88 = arith.constant 0 : i32
        %dma_start3A_89 = tpu.memref_slice %arg9[%add3A_72, %dma_start3A_88] : memref<16x128xi32, #tpu.memory_space<vmem>> -> memref<1x128xi32, #tpu.memory_space<vmem>>
        %dma_start3A_90 = tpu.memref_squeeze %dma_start3A_89 : memref<1x128xi32, #tpu.memory_space<vmem>> -> memref<128xi32, #tpu.memory_space<vmem>>
        %dma_start3A_91 = arith.constant 0 : i32
        %dma_start3A_92 = arith.constant 0 : i32
        %dma_start3A_93 = tpu.memref_slice %arg2[%dma_start3A_91, %dma_start3A_92] : memref<10000x128xf32, #tpu.memory_space<hbm>> -> memref<10000x128xf32, #tpu.memory_space<hbm>>
        tpu.enqueue_indirect_dma source(%dma_start3A_93 : memref<10000x128xf32, #tpu.memory_space<hbm>>) target(%arg12 : memref<128x128xf32, #tpu.memory_space<vmem>>) offsets(%dma_start3A_90 : memref<128xi32, #tpu.memory_space<vmem>>) semaphore(%arg15 : memref<!tpu.dma_semaphore, #tpu.memory_space<semaphore_mem>>)
        %dma_wait3A_94 = arith.constant 0 : i32
        %dma_wait3A_95 = tpu.memref_slice %arg9[%mul3A_70, %dma_wait3A_94] : memref<16x128xi32, #tpu.memory_space<vmem>> -> memref<1x128xi32, #tpu.memory_space<vmem>>
        %dma_wait3A_96 = tpu.memref_squeeze %dma_wait3A_95 : memref<1x128xi32, #tpu.memory_space<vmem>> -> memref<128xi32, #tpu.memory_space<vmem>>
        %dma_wait3A_97 = arith.constant 0 : i32
        %dma_wait3A_98 = arith.constant 0 : i32
        %dma_wait3A_99 = tpu.memref_slice %arg2[%dma_wait3A_97, %dma_wait3A_98] : memref<10000x128xf32, #tpu.memory_space<hbm>> -> memref<10000x128xf32, #tpu.memory_space<hbm>>
        tpu.wait_indirect_dma semaphore(%arg14 : memref<!tpu.dma_semaphore, #tpu.memory_space<semaphore_mem>>) src(%dma_wait3A_99 : memref<10000x128xf32, #tpu.memory_space<hbm>>) dst(%arg11 : memref<128x128xf32, #tpu.memory_space<vmem>>)
        %dma_start3A_100 = arith.constant 0 : i32
        %dma_start3A_101 = tpu.memref_slice %arg10[%mul3A_70, %dma_start3A_100] : memref<16x128xi32, #tpu.memory_space<vmem>> -> memref<1x128xi32, #tpu.memory_space<vmem>>
        %dma_start3A_102 = tpu.memref_squeeze %dma_start3A_101 : memref<1x128xi32, #tpu.memory_space<vmem>> -> memref<128xi32, #tpu.memory_space<vmem>>
        %dma_start3A_103 = arith.constant 0 : i32
        %dma_start3A_104 = arith.constant 0 : i32
        %dma_start3A_105 = tpu.memref_slice %arg13[%dma_start3A_103, %dma_start3A_104] : memref<10112x128xf32, #tpu.memory_space<vmem_shared>> -> memref<10112x128xf32, #tpu.memory_space<vmem_shared>>
        tpu.enqueue_indirect_dma source(%arg11 : memref<128x128xf32, #tpu.memory_space<vmem>>) target(%dma_start3A_105 : memref<10112x128xf32, #tpu.memory_space<vmem_shared>>) offsets(%dma_start3A_102 : memref<128xi32, #tpu.memory_space<vmem>>) semaphore(%arg16 : memref<!tpu.dma_semaphore, #tpu.memory_space<semaphore_mem>>) {add = true}
        %dma_wait3A_106 = arith.constant 0 : i32
        %dma_wait3A_107 = tpu.memref_slice %arg9[%add3A_72, %dma_wait3A_106] : memref<16x128xi32, #tpu.memory_space<vmem>> -> memref<1x128xi32, #tpu.memory_space<vmem>>
        %dma_wait3A_108 = tpu.memref_squeeze %dma_wait3A_107 : memref<1x128xi32, #tpu.memory_space<vmem>> -> memref<128xi32, #tpu.memory_space<vmem>>
        %dma_wait3A_109 = arith.constant 0 : i32
        %dma_wait3A_110 = arith.constant 0 : i32
        %dma_wait3A_111 = tpu.memref_slice %arg2[%dma_wait3A_109, %dma_wait3A_110] : memref<10000x128xf32, #tpu.memory_space<hbm>> -> memref<10000x128xf32, #tpu.memory_space<hbm>>
        tpu.wait_indirect_dma semaphore(%arg15 : memref<!tpu.dma_semaphore, #tpu.memory_space<semaphore_mem>>) src(%dma_wait3A_111 : memref<10000x128xf32, #tpu.memory_space<hbm>>) dst(%arg12 : memref<128x128xf32, #tpu.memory_space<vmem>>)
        %dma_start3A_112 = arith.constant 0 : i32
        %dma_start3A_113 = tpu.memref_slice %arg10[%add3A_72, %dma_start3A_112] : memref<16x128xi32, #tpu.memory_space<vmem>> -> memref<1x128xi32, #tpu.memory_space<vmem>>
        %dma_start3A_114 = tpu.memref_squeeze %dma_start3A_113 : memref<1x128xi32, #tpu.memory_space<vmem>> -> memref<128xi32, #tpu.memory_space<vmem>>
        %dma_start3A_115 = arith.constant 0 : i32
        %dma_start3A_116 = arith.constant 0 : i32
        %dma_start3A_117 = tpu.memref_slice %arg13[%dma_start3A_115, %dma_start3A_116] : memref<10112x128xf32, #tpu.memory_space<vmem_shared>> -> memref<10112x128xf32, #tpu.memory_space<vmem_shared>>
        tpu.enqueue_indirect_dma source(%arg12 : memref<128x128xf32, #tpu.memory_space<vmem>>) target(%dma_start3A_117 : memref<10112x128xf32, #tpu.memory_space<vmem_shared>>) offsets(%dma_start3A_114 : memref<128xi32, #tpu.memory_space<vmem>>) semaphore(%arg17 : memref<!tpu.dma_semaphore, #tpu.memory_space<semaphore_mem>>) {add = true}
      } else {
      }
      %eq3A_78 = arith.constant 1 : i32
      %eq3A_79 = arith.cmpi eq, %arg0, %eq3A_78 : i32
      %convert_element_type3A_80 = arith.extui %eq3A_79 : i1 to i32
      %cond3A_81 = arith.constant 0 : i32
      %cond3A_82 = arith.cmpi ne, %convert_element_type3A_80, %cond3A_81 : i32
      scf.if %cond3A_82 {
        %dma_start3A = arith.constant 0 : i32
        %dma_start3A_83 = tpu.memref_slice %arg9[%mul3A_70, %dma_start3A] : memref<16x128xi32, #tpu.memory_space<vmem>> -> memref<1x128xi32, #tpu.memory_space<vmem>>
        %dma_start3A_84 = tpu.memref_squeeze %dma_start3A_83 : memref<1x128xi32, #tpu.memory_space<vmem>> -> memref<128xi32, #tpu.memory_space<vmem>>
        %dma_start3A_85 = arith.constant 0 : i32
        %dma_start3A_86 = arith.constant 0 : i32
        %dma_start3A_87 = tpu.memref_slice %arg3[%dma_start3A_85, %dma_start3A_86] : memref<10000x128xf32, #tpu.memory_space<hbm>> -> memref<10000x128xf32, #tpu.memory_space<hbm>>
        tpu.enqueue_indirect_dma source(%dma_start3A_87 : memref<10000x128xf32, #tpu.memory_space<hbm>>) target(%arg11 : memref<128x128xf32, #tpu.memory_space<vmem>>) offsets(%dma_start3A_84 : memref<128xi32, #tpu.memory_space<vmem>>) semaphore(%arg14 : memref<!tpu.dma_semaphore, #tpu.memory_space<semaphore_mem>>)
        %dma_start3A_88 = arith.constant 0 : i32
        %dma_start3A_89 = tpu.memref_slice %arg9[%add3A_72, %dma_start3A_88] : memref<16x128xi32, #tpu.memory_space<vmem>> -> memref<1x128xi32, #tpu.memory_space<vmem>>
        %dma_start3A_90 = tpu.memref_squeeze %dma_start3A_89 : memref<1x128xi32, #tpu.memory_space<vmem>> -> memref<128xi32, #tpu.memory_space<vmem>>
        %dma_start3A_91 = arith.constant 0 : i32
        %dma_start3A_92 = arith.constant 0 : i32
        %dma_start3A_93 = tpu.memref_slice %arg3[%dma_start3A_91, %dma_start3A_92] : memref<10000x128xf32, #tpu.memory_space<hbm>> -> memref<10000x128xf32, #tpu.memory_space<hbm>>
        tpu.enqueue_indirect_dma source(%dma_start3A_93 : memref<10000x128xf32, #tpu.memory_space<hbm>>) target(%arg12 : memref<128x128xf32, #tpu.memory_space<vmem>>) offsets(%dma_start3A_90 : memref<128xi32, #tpu.memory_space<vmem>>) semaphore(%arg15 : memref<!tpu.dma_semaphore, #tpu.memory_space<semaphore_mem>>)
        %dma_wait3A_94 = arith.constant 0 : i32
        %dma_wait3A_95 = tpu.memref_slice %arg9[%mul3A_70, %dma_wait3A_94] : memref<16x128xi32, #tpu.memory_space<vmem>> -> memref<1x128xi32, #tpu.memory_space<vmem>>
        %dma_wait3A_96 = tpu.memref_squeeze %dma_wait3A_95 : memref<1x128xi32, #tpu.memory_space<vmem>> -> memref<128xi32, #tpu.memory_space<vmem>>
        %dma_wait3A_97 = arith.constant 0 : i32
        %dma_wait3A_98 = arith.constant 0 : i32
        %dma_wait3A_99 = tpu.memref_slice %arg3[%dma_wait3A_97, %dma_wait3A_98] : memref<10000x128xf32, #tpu.memory_space<hbm>> -> memref<10000x128xf32, #tpu.memory_space<hbm>>
        tpu.wait_indirect_dma semaphore(%arg14 : memref<!tpu.dma_semaphore, #tpu.memory_space<semaphore_mem>>) src(%dma_wait3A_99 : memref<10000x128xf32, #tpu.memory_space<hbm>>) dst(%arg11 : memref<128x128xf32, #tpu.memory_space<vmem>>)
        %dma_start3A_100 = arith.constant 0 : i32
        %dma_start3A_101 = tpu.memref_slice %arg10[%mul3A_70, %dma_start3A_100] : memref<16x128xi32, #tpu.memory_space<vmem>> -> memref<1x128xi32, #tpu.memory_space<vmem>>
        %dma_start3A_102 = tpu.memref_squeeze %dma_start3A_101 : memref<1x128xi32, #tpu.memory_space<vmem>> -> memref<128xi32, #tpu.memory_space<vmem>>
        %dma_start3A_103 = arith.constant 0 : i32
        %dma_start3A_104 = arith.constant 0 : i32
        %dma_start3A_105 = tpu.memref_slice %arg13[%dma_start3A_103, %dma_start3A_104] : memref<10112x128xf32, #tpu.memory_space<vmem_shared>> -> memref<10112x128xf32, #tpu.memory_space<vmem_shared>>
        tpu.enqueue_indirect_dma source(%arg11 : memref<128x128xf32, #tpu.memory_space<vmem>>) target(%dma_start3A_105 : memref<10112x128xf32, #tpu.memory_space<vmem_shared>>) offsets(%dma_start3A_102 : memref<128xi32, #tpu.memory_space<vmem>>) semaphore(%arg16 : memref<!tpu.dma_semaphore, #tpu.memory_space<semaphore_mem>>) {add = true}
        %dma_wait3A_106 = arith.constant 0 : i32
        %dma_wait3A_107 = tpu.memref_slice %arg9[%add3A_72, %dma_wait3A_106] : memref<16x128xi32, #tpu.memory_space<vmem>> -> memref<1x128xi32, #tpu.memory_space<vmem>>
        %dma_wait3A_108 = tpu.memref_squeeze %dma_wait3A_107 : memref<1x128xi32, #tpu.memory_space<vmem>> -> memref<128xi32, #tpu.memory_space<vmem>>
        %dma_wait3A_109 = arith.constant 0 : i32
        %dma_wait3A_110 = arith.constant 0 : i32
        %dma_wait3A_111 = tpu.memref_slice %arg3[%dma_wait3A_109, %dma_wait3A_110] : memref<10000x128xf32, #tpu.memory_space<hbm>> -> memref<10000x128xf32, #tpu.memory_space<hbm>>
        tpu.wait_indirect_dma semaphore(%arg15 : memref<!tpu.dma_semaphore, #tpu.memory_space<semaphore_mem>>) src(%dma_wait3A_111 : memref<10000x128xf32, #tpu.memory_space<hbm>>) dst(%arg12 : memref<128x128xf32, #tpu.memory_space<vmem>>)
        %dma_start3A_112 = arith.constant 0 : i32
        %dma_start3A_113 = tpu.memref_slice %arg10[%add3A_72, %dma_start3A_112] : memref<16x128xi32, #tpu.memory_space<vmem>> -> memref<1x128xi32, #tpu.memory_space<vmem>>
        %dma_start3A_114 = tpu.memref_squeeze %dma_start3A_113 : memref<1x128xi32, #tpu.memory_space<vmem>> -> memref<128xi32, #tpu.memory_space<vmem>>
        %dma_start3A_115 = arith.constant 0 : i32
        %dma_start3A_116 = arith.constant 0 : i32
        %dma_start3A_117 = tpu.memref_slice %arg13[%dma_start3A_115, %dma_start3A_116] : memref<10112x128xf32, #tpu.memory_space<vmem_shared>> -> memref<10112x128xf32, #tpu.memory_space<vmem_shared>>
        tpu.enqueue_indirect_dma source(%arg12 : memref<128x128xf32, #tpu.memory_space<vmem>>) target(%dma_start3A_117 : memref<10112x128xf32, #tpu.memory_space<vmem_shared>>) offsets(%dma_start3A_114 : memref<128xi32, #tpu.memory_space<vmem>>) semaphore(%arg17 : memref<!tpu.dma_semaphore, #tpu.memory_space<semaphore_mem>>) {add = true}
      } else {
      }
    }
    %scan3A_4 = arith.constant 80 : i32
    %dma_wait3A = arith.constant 0 : i32
    %dma_wait3A_5 = arith.constant 0 : i32
    %dma_wait3A_6 = tpu.memref_slice %arg2[%dma_wait3A, %dma_wait3A_5] : memref<10000x128xf32, #tpu.memory_space<hbm>> -> memref<128x128xf32, #tpu.memory_space<hbm>>
    %dma_wait3A_7 = arith.constant 0 : i32
    %dma_wait3A_8 = arith.constant 0 : i32
    %dma_wait3A_9 = tpu.memref_slice %arg2[%dma_wait3A_7, %dma_wait3A_8] : memref<10000x128xf32, #tpu.memory_space<hbm>> -> memref<128x128xf32, #tpu.memory_space<hbm>>
    tpu.wait_dma2 semaphore(%arg16 : memref<!tpu.dma_semaphore, #tpu.memory_space<semaphore_mem>>) src(%dma_wait3A_9 : memref<128x128xf32, #tpu.memory_space<hbm>>) dst(%arg11 : memref<128x128xf32, #tpu.memory_space<vmem>>)
    %dma_wait3A_10 = arith.constant 0 : i32
    %dma_wait3A_11 = arith.constant 0 : i32
    %dma_wait3A_12 = tpu.memref_slice %arg2[%dma_wait3A_10, %dma_wait3A_11] : memref<10000x128xf32, #tpu.memory_space<hbm>> -> memref<128x128xf32, #tpu.memory_space<hbm>>
    %dma_wait3A_13 = arith.constant 0 : i32
    %dma_wait3A_14 = arith.constant 0 : i32
    %dma_wait3A_15 = tpu.memref_slice %arg2[%dma_wait3A_13, %dma_wait3A_14] : memref<10000x128xf32, #tpu.memory_space<hbm>> -> memref<128x128xf32, #tpu.memory_space<hbm>>
    tpu.wait_dma2 semaphore(%arg17 : memref<!tpu.dma_semaphore, #tpu.memory_space<semaphore_mem>>) src(%dma_wait3A_15 : memref<128x128xf32, #tpu.memory_space<hbm>>) dst(%arg12 : memref<128x128xf32, #tpu.memory_space<vmem>>)
    %barrier3A_16 = arith.constant 0 : index
    tpu.barrier barrier_id(%barrier3A_16)
    %eq3A = arith.constant 0 : i32
    %eq3A_17 = arith.cmpi eq, %arg0, %eq3A : i32
    %lt3A = arith.constant 10 : i32
    %lt3A_18 = arith.cmpi slt, %arg1, %lt3A : i32
    %and3A = arith.andi %eq3A_17, %lt3A_18 : i1
    %convert_element_type3A = arith.extui %and3A : i1 to i32
    %cond3A = arith.constant 0 : i32
    %cond3A_19 = arith.cmpi ne, %convert_element_type3A, %cond3A : i32
    scf.if %cond3A_19 {
      %mul3A_28 = arith.constant 1000 : i32
      %mul3A_29 = arith.muli %arg1, %mul3A_28 : i32
      %mul3A_30 = arith.constant 1000 : i32
      %mul3A_31 = arith.muli %arg1, %mul3A_30 : i32
      "tpu.region"() ({
        %run_scoped3A = tpu.sem_alloc : memref<!tpu.dma_semaphore, #tpu.memory_space<semaphore_mem>>
        %dma_start3A = arith.constant 0 : i32
        %dma_start3A_32 = tpu.memref_slice %arg7[%mul3A_31, %dma_start3A] : memref<10000x128xf32, #tpu.memory_space<hbm>> -> memref<1000x128xf32, #tpu.memory_space<hbm>>
        %dma_start3A_33 = arith.constant 0 : i32
        %dma_start3A_34 = tpu.memref_slice %arg13[%mul3A_29, %dma_start3A_33] : memref<10112x128xf32, #tpu.memory_space<vmem_shared>> -> memref<1000x128xf32, #tpu.memory_space<vmem_shared>>
        tpu.enqueue_dma source(%dma_start3A_34 : memref<1000x128xf32, #tpu.memory_space<vmem_shared>>) target(%dma_start3A_32 : memref<1000x128xf32, #tpu.memory_space<hbm>>) target_semaphore(%run_scoped3A : memref<!tpu.dma_semaphore, #tpu.memory_space<semaphore_mem>>)
        %dma_wait3A_35 = arith.constant 0 : i32
        %dma_wait3A_36 = tpu.memref_slice %arg7[%mul3A_31, %dma_wait3A_35] : memref<10000x128xf32, #tpu.memory_space<hbm>> -> memref<1000x128xf32, #tpu.memory_space<hbm>>
        %dma_wait3A_37 = arith.constant 0 : i32
        %dma_wait3A_38 = tpu.memref_slice %arg13[%mul3A_29, %dma_wait3A_37] : memref<10112x128xf32, #tpu.memory_space<vmem_shared>> -> memref<1000x128xf32, #tpu.memory_space<vmem_shared>>
        tpu.wait_dma2 semaphore(%run_scoped3A : memref<!tpu.dma_semaphore, #tpu.memory_space<semaphore_mem>>) src(%dma_wait3A_38 : memref<1000x128xf32, #tpu.memory_space<vmem_shared>>) dst(%dma_wait3A_36 : memref<1000x128xf32, #tpu.memory_space<hbm>>)
        tpu.yield
      }) : () -> ()
    } else {
    }
    %eq3A_20 = arith.constant 1 : i32
    %eq3A_21 = arith.cmpi eq, %arg0, %eq3A_20 : i32
    %lt3A_22 = arith.constant 10 : i32
    %lt3A_23 = arith.cmpi slt, %arg1, %lt3A_22 : i32
    %and3A_24 = arith.andi %eq3A_21, %lt3A_23 : i1
    %convert_element_type3A_25 = arith.extui %and3A_24 : i1 to i32
    %cond3A_26 = arith.constant 0 : i32
    %cond3A_27 = arith.cmpi ne, %convert_element_type3A_25, %cond3A_26 : i32
    scf.if %cond3A_27 {
      %mul3A_28 = arith.constant 1000 : i32
      %mul3A_29 = arith.muli %arg1, %mul3A_28 : i32
      %mul3A_30 = arith.constant 1000 : i32
      %mul3A_31 = arith.muli %arg1, %mul3A_30 : i32
      "tpu.region"() ({
        %run_scoped3A = tpu.sem_alloc : memref<!tpu.dma_semaphore, #tpu.memory_space<semaphore_mem>>
        %dma_start3A = arith.constant 0 : i32
        %dma_start3A_32 = tpu.memref_slice %arg8[%mul3A_31, %dma_start3A] : memref<10000x128xf32, #tpu.memory_space<hbm>> -> memref<1000x128xf32, #tpu.memory_space<hbm>>
        %dma_start3A_33 = arith.constant 0 : i32
        %dma_start3A_34 = tpu.memref_slice %arg13[%mul3A_29, %dma_start3A_33] : memref<10112x128xf32, #tpu.memory_space<vmem_shared>> -> memref<1000x128xf32, #tpu.memory_space<vmem_shared>>
        tpu.enqueue_dma source(%dma_start3A_34 : memref<1000x128xf32, #tpu.memory_space<vmem_shared>>) target(%dma_start3A_32 : memref<1000x128xf32, #tpu.memory_space<hbm>>) target_semaphore(%run_scoped3A : memref<!tpu.dma_semaphore, #tpu.memory_space<semaphore_mem>>)
        %dma_wait3A_35 = arith.constant 0 : i32
        %dma_wait3A_36 = tpu.memref_slice %arg8[%mul3A_31, %dma_wait3A_35] : memref<10000x128xf32, #tpu.memory_space<hbm>> -> memref<1000x128xf32, #tpu.memory_space<hbm>>
        %dma_wait3A_37 = arith.constant 0 : i32
        %dma_wait3A_38 = tpu.memref_slice %arg13[%mul3A_29, %dma_wait3A_37] : memref<10112x128xf32, #tpu.memory_space<vmem_shared>> -> memref<1000x128xf32, #tpu.memory_space<vmem_shared>>
        tpu.wait_dma2 semaphore(%run_scoped3A : memref<!tpu.dma_semaphore, #tpu.memory_space<semaphore_mem>>) src(%dma_wait3A_38 : memref<1000x128xf32, #tpu.memory_space<vmem_shared>>) dst(%dma_wait3A_36 : memref<1000x128xf32, #tpu.memory_space<hbm>>)
        tpu.yield
      }) : () -> ()
    } else {
    }
    return
  }
}

module attributes {stable_mosaic.version = 14 : i64} {
  func.func @body(%arg0: memref<10000x128xf32, #tpu.memory_space<vmem>>, %arg1: memref<128x256xf32, #tpu.memory_space<vmem>>, %arg2: memref<10000x128xf32, #tpu.memory_space<vmem>>, %arg3: memref<10000x128xf32, #tpu.memory_space<vmem>>) attributes {dimension_semantics = [], scalar_prefetch = 0 : i64, scratch_operands = 0 : i64, tpu.core_type = #tpu.core_type<tc>} {
    %get3A = arith.constant 0 : index
    %get3A_0 = arith.constant 0 : index
    %get3A_1 = vector.load %arg0[%get3A, %get3A_0] : memref<10000x128xf32, #tpu.memory_space<vmem>>, vector<10000x128xf32>
    %get3A_2 = arith.constant 0 : index
    %get3A_3 = arith.constant 0 : index
    %get3A_4 = vector.load %arg1[%get3A_2, %get3A_3] : memref<128x256xf32, #tpu.memory_space<vmem>>, vector<128x256xf32>
    %dot_general3A = arith.constant dense<0.000000e+00> : vector<10000x256xf32>
    %dot_general3A_5 = tpu.matmul %get3A_1, %get3A_4, %dot_general3A {dimension_numbers = #tpu.dot_dimension_numbers<[1], [0], [0], [1], [0, 0, 1, 1], [], []>, transpose_lhs_hint = false} : vector<10000x128xf32>, vector<128x256xf32>, vector<10000x256xf32> -> vector<10000x256xf32>
    %slice3A = vector.extract_strided_slice %dot_general3A_5 {offsets = [0, 0], sizes = [10000, 128], strides = [1, 1]} : vector<10000x256xf32> to vector<10000x128xf32>
    %swap3A = arith.constant 0 : index
    %swap3A_6 = arith.constant 0 : index
    %swap3A_7 = vector.load %arg2[%swap3A, %swap3A_6] : memref<10000x128xf32, #tpu.memory_space<vmem>>, vector<10000x128xf32>
    tpu.vector_store %arg2[%swap3A, %swap3A_6], %slice3A {strides = array<i32>} : memref<10000x128xf32, #tpu.memory_space<vmem>>, vector<10000x128xf32>,
    %slice3A_8 = vector.extract_strided_slice %dot_general3A_5 {offsets = [0, 128], sizes = [10000, 128], strides = [1, 1]} : vector<10000x256xf32> to vector<10000x128xf32>
    %swap3A_9 = arith.constant 0 : index
    %swap3A_10 = arith.constant 0 : index
    %swap3A_11 = vector.load %arg3[%swap3A_9, %swap3A_10] : memref<10000x128xf32, #tpu.memory_space<vmem>>, vector<10000x128xf32>
    tpu.vector_store %arg3[%swap3A_9, %swap3A_10], %slice3A_8 {strides = array<i32>} : memref<10000x128xf32, #tpu.memory_space<vmem>>, vector<10000x128xf32>,
    return
  }
}

module attributes {stable_mosaic.version = 14 : i64} {
  func.func @body(%arg0: memref<10000x128xf32, #tpu.memory_space<vmem>>, %arg1: memref<10000x128xf32, #tpu.memory_space<vmem>>, %arg2: memref<20000x128xf32, #tpu.memory_space<vmem>>, %arg3: memref<10000x128xf32, #tpu.memory_space<vmem>>, %arg4: memref<10000x128xf32, #tpu.memory_space<vmem>>, %arg5: memref<10000x128xf32, #tpu.memory_space<vmem>>) attributes {dimension_semantics = [], scalar_prefetch = 0 : i64, scratch_operands = 0 : i64, tpu.core_type = #tpu.core_type<tc>} {
    %get3A = arith.constant 0 : index
    %get3A_0 = arith.constant 0 : index
    %get3A_1 = vector.load %arg2[%get3A, %get3A_0] : memref<20000x128xf32, #tpu.memory_space<vmem>>, vector<10000x1xf32>
    %get3A_2 = arith.constant 10000 : index
    %get3A_3 = arith.constant 0 : index
    %get3A_4 = vector.load %arg2[%get3A_2, %get3A_3] : memref<20000x128xf32, #tpu.memory_space<vmem>>, vector<10000x1xf32>
    %add3A = arith.addf %get3A_1, %get3A_4 : vector<10000x1xf32>
    %add3A_5 = arith.constant 1.000000e+00 : f32
    %add3A_6 = vector.broadcast %add3A_5 : f32 to vector<10000x1xf32>
    %add3A_7 = arith.addf %add3A, %add3A_6 : vector<10000x1xf32>
    %rsqrt3A = math.rsqrt %add3A_7 : vector<10000x1xf32>
    %get3A_8 = arith.constant 0 : index
    %get3A_9 = arith.constant 0 : index
    %get3A_10 = vector.load %arg0[%get3A_8, %get3A_9] : memref<10000x128xf32, #tpu.memory_space<vmem>>, vector<10000x128xf32>
    %mul3A = vector.broadcast %rsqrt3A : vector<10000x1xf32> to vector<10000x128xf32>
    %mul3A_11 = arith.mulf %get3A_10, %mul3A : vector<10000x128xf32>
    %swap3A = arith.constant 0 : index
    %swap3A_12 = arith.constant 0 : index
    %swap3A_13 = vector.load %arg3[%swap3A, %swap3A_12] : memref<10000x128xf32, #tpu.memory_space<vmem>>, vector<10000x128xf32>
    tpu.vector_store %arg3[%swap3A, %swap3A_12], %mul3A_11 {strides = array<i32>} : memref<10000x128xf32, #tpu.memory_space<vmem>>, vector<10000x128xf32>,
    %get3A_14 = arith.constant 0 : index
    %get3A_15 = arith.constant 0 : index
    %get3A_16 = vector.load %arg1[%get3A_14, %get3A_15] : memref<10000x128xf32, #tpu.memory_space<vmem>>, vector<10000x128xf32>
    %mul3A_17 = vector.broadcast %rsqrt3A : vector<10000x1xf32> to vector<10000x128xf32>
    %mul3A_18 = arith.mulf %get3A_16, %mul3A_17 : vector<10000x128xf32>
    %swap3A_19 = arith.constant 0 : index
    %swap3A_20 = arith.constant 0 : index
    %swap3A_21 = vector.load %arg4[%swap3A_19, %swap3A_20] : memref<10000x128xf32, #tpu.memory_space<vmem>>, vector<10000x128xf32>
    tpu.vector_store %arg4[%swap3A_19, %swap3A_20], %mul3A_18 {strides = array<i32>} : memref<10000x128xf32, #tpu.memory_space<vmem>>, vector<10000x128xf32>,
    %broadcast_in_dim3A = vector.shape_cast %rsqrt3A : vector<10000x1xf32> to vector<10000x1xf32>
    %broadcast_in_dim3A_22 = vector.broadcast %broadcast_in_dim3A : vector<10000x1xf32> to vector<10000x128xf32>
    %swap3A_23 = arith.constant 0 : index
    %swap3A_24 = arith.constant 0 : index
    %swap3A_25 = vector.load %arg5[%swap3A_23, %swap3A_24] : memref<10000x128xf32, #tpu.memory_space<vmem>>, vector<10000x128xf32>
    tpu.vector_store %arg5[%swap3A_23, %swap3A_24], %broadcast_in_dim3A_22 {strides = array<i32>} : memref<10000x128xf32, #tpu.memory_space<vmem>>, vector<10000x128xf32>,
    return
  }
}

module attributes {stable_mosaic.version = 14 : i64} {
  func.func @body(%arg0: memref<10000x128xf32, #tpu.memory_space<vmem>>, %arg1: memref<10000x128xf32, #tpu.memory_space<vmem>>, %arg2: memref<10000x128xf32, #tpu.memory_space<vmem>>, %arg3: memref<10000x128xf32, #tpu.memory_space<vmem>>, %arg4: memref<10000x128xf32, #tpu.memory_space<vmem>>, %arg5: memref<1x128xf32, #tpu.memory_space<vmem>>, %arg6: memref<1x128xf32, #tpu.memory_space<vmem>>, %arg7: memref<1x128xf32, #tpu.memory_space<vmem>>, %arg8: memref<1x128xf32, #tpu.memory_space<vmem>>, %arg9: memref<1x128xf32, #tpu.memory_space<vmem>>, %arg10: memref<1x128xf32, #tpu.memory_space<vmem>>, %arg11: memref<256x256xf32, #tpu.memory_space<vmem>>, %arg12: memref<10000x128xf32, #tpu.memory_space<vmem>>, %arg13: memref<10000x128xf32, #tpu.memory_space<vmem>>) attributes {dimension_semantics = [], scalar_prefetch = 0 : i64, scratch_operands = 0 : i64, tpu.core_type = #tpu.core_type<tc>} {
    %get3A = arith.constant 0 : index
    %get3A_0 = arith.constant 0 : index
    %get3A_1 = vector.load %arg0[%get3A, %get3A_0] : memref<10000x128xf32, #tpu.memory_space<vmem>>, vector<10000x128xf32>
    %get3A_2 = arith.constant 0 : index
    %get3A_3 = arith.constant 0 : index
    %get3A_4 = vector.load %arg2[%get3A_2, %get3A_3] : memref<10000x128xf32, #tpu.memory_space<vmem>>, vector<10000x128xf32>
    %add3A = arith.addf %get3A_1, %get3A_4 : vector<10000x128xf32>
    %get3A_5 = arith.constant 0 : index
    %get3A_6 = arith.constant 0 : index
    %get3A_7 = vector.load %arg4[%get3A_5, %get3A_6] : memref<10000x128xf32, #tpu.memory_space<vmem>>, vector<10000x128xf32>
    %mul3A = arith.mulf %add3A, %get3A_7 : vector<10000x128xf32>
    %get3A_8 = arith.constant 0 : index
    %get3A_9 = arith.constant 0 : index
    %get3A_10 = vector.load %arg5[%get3A_8, %get3A_9] : memref<1x128xf32, #tpu.memory_space<vmem>>, vector<1x128xf32>
    %add3A_11 = vector.broadcast %get3A_10 : vector<1x128xf32> to vector<10000x128xf32>
    %add3A_12 = arith.addf %mul3A, %add3A_11 : vector<10000x128xf32>
    %reduce_sum3A = arith.constant dense<0.000000e+00> : vector<128xf32>
    %reduce_sum3A_13 = vector.multi_reduction <add>, %add3A_12, %reduce_sum3A [0] : vector<10000x128xf32> to vector<128xf32>
    %broadcast_in_dim3A = vector.shape_cast %reduce_sum3A_13 : vector<128xf32> to vector<1x128xf32>
    %div3A = arith.constant 1.000000e+04 : f32
    %div3A_14 = vector.broadcast %div3A : f32 to vector<1x128xf32>
    %div3A_15 = arith.divf %broadcast_in_dim3A, %div3A_14 : vector<1x128xf32>
    %sub3A = vector.broadcast %div3A_15 : vector<1x128xf32> to vector<10000x128xf32>
    %sub3A_16 = arith.subf %add3A_12, %sub3A : vector<10000x128xf32>
    %mul3A_17 = arith.mulf %sub3A_16, %sub3A_16 : vector<10000x128xf32>
    %reduce_sum3A_18 = arith.constant dense<0.000000e+00> : vector<128xf32>
    %reduce_sum3A_19 = vector.multi_reduction <add>, %mul3A_17, %reduce_sum3A_18 [0] : vector<10000x128xf32> to vector<128xf32>
    %broadcast_in_dim3A_20 = vector.shape_cast %reduce_sum3A_19 : vector<128xf32> to vector<1x128xf32>
    %div3A_21 = arith.constant 1.000000e+04 : f32
    %div3A_22 = vector.broadcast %div3A_21 : f32 to vector<1x128xf32>
    %div3A_23 = arith.divf %broadcast_in_dim3A_20, %div3A_22 : vector<1x128xf32>
    %add3A_24 = arith.constant 9.99999974E-6 : f32
    %add3A_25 = vector.broadcast %add3A_24 : f32 to vector<1x128xf32>
    %add3A_26 = arith.addf %div3A_23, %add3A_25 : vector<1x128xf32>
    %rsqrt3A = math.rsqrt %add3A_26 : vector<1x128xf32>
    %mul3A_27 = vector.broadcast %rsqrt3A : vector<1x128xf32> to vector<10000x128xf32>
    %mul3A_28 = arith.mulf %sub3A_16, %mul3A_27 : vector<10000x128xf32>
    %get3A_29 = arith.constant 0 : index
    %get3A_30 = arith.constant 0 : index
    %get3A_31 = vector.load %arg7[%get3A_29, %get3A_30] : memref<1x128xf32, #tpu.memory_space<vmem>>, vector<1x128xf32>
    %mul3A_32 = vector.broadcast %get3A_31 : vector<1x128xf32> to vector<10000x128xf32>
    %mul3A_33 = arith.mulf %mul3A_28, %mul3A_32 : vector<10000x128xf32>
    %get3A_34 = arith.constant 0 : index
    %get3A_35 = arith.constant 0 : index
    %get3A_36 = vector.load %arg9[%get3A_34, %get3A_35] : memref<1x128xf32, #tpu.memory_space<vmem>>, vector<1x128xf32>
    %add3A_37 = vector.broadcast %get3A_36 : vector<1x128xf32> to vector<10000x128xf32>
    %add3A_38 = arith.addf %mul3A_33, %add3A_37 : vector<10000x128xf32>
    %max3A = arith.constant 0.000000e+00 : f32
    %max3A_39 = vector.broadcast %max3A : f32 to vector<10000x128xf32>
    %max3A_40 = arith.maximumf %add3A_38, %max3A_39 : vector<10000x128xf32>
    %get3A_41 = arith.constant 0 : index
    %get3A_42 = arith.constant 0 : index
    %get3A_43 = vector.load %arg1[%get3A_41, %get3A_42] : memref<10000x128xf32, #tpu.memory_space<vmem>>, vector<10000x128xf32>
    %get3A_44 = arith.constant 0 : index
    %get3A_45 = arith.constant 0 : index
    %get3A_46 = vector.load %arg3[%get3A_44, %get3A_45] : memref<10000x128xf32, #tpu.memory_space<vmem>>, vector<10000x128xf32>
    %add3A_47 = arith.addf %get3A_43, %get3A_46 : vector<10000x128xf32>
    %get3A_48 = arith.constant 0 : index
    %get3A_49 = arith.constant 0 : index
    %get3A_50 = vector.load %arg4[%get3A_48, %get3A_49] : memref<10000x128xf32, #tpu.memory_space<vmem>>, vector<10000x128xf32>
    %mul3A_51 = arith.mulf %add3A_47, %get3A_50 : vector<10000x128xf32>
    %get3A_52 = arith.constant 0 : index
    %get3A_53 = arith.constant 0 : index
    %get3A_54 = vector.load %arg6[%get3A_52, %get3A_53] : memref<1x128xf32, #tpu.memory_space<vmem>>, vector<1x128xf32>
    %add3A_55 = vector.broadcast %get3A_54 : vector<1x128xf32> to vector<10000x128xf32>
    %add3A_56 = arith.addf %mul3A_51, %add3A_55 : vector<10000x128xf32>
    %reduce_sum3A_57 = arith.constant dense<0.000000e+00> : vector<128xf32>
    %reduce_sum3A_58 = vector.multi_reduction <add>, %add3A_56, %reduce_sum3A_57 [0] : vector<10000x128xf32> to vector<128xf32>
    %broadcast_in_dim3A_59 = vector.shape_cast %reduce_sum3A_58 : vector<128xf32> to vector<1x128xf32>
    %div3A_60 = arith.constant 1.000000e+04 : f32
    %div3A_61 = vector.broadcast %div3A_60 : f32 to vector<1x128xf32>
    %div3A_62 = arith.divf %broadcast_in_dim3A_59, %div3A_61 : vector<1x128xf32>
    %sub3A_63 = vector.broadcast %div3A_62 : vector<1x128xf32> to vector<10000x128xf32>
    %sub3A_64 = arith.subf %add3A_56, %sub3A_63 : vector<10000x128xf32>
    %mul3A_65 = arith.mulf %sub3A_64, %sub3A_64 : vector<10000x128xf32>
    %reduce_sum3A_66 = arith.constant dense<0.000000e+00> : vector<128xf32>
    %reduce_sum3A_67 = vector.multi_reduction <add>, %mul3A_65, %reduce_sum3A_66 [0] : vector<10000x128xf32> to vector<128xf32>
    %broadcast_in_dim3A_68 = vector.shape_cast %reduce_sum3A_67 : vector<128xf32> to vector<1x128xf32>
    %div3A_69 = arith.constant 1.000000e+04 : f32
    %div3A_70 = vector.broadcast %div3A_69 : f32 to vector<1x128xf32>
    %div3A_71 = arith.divf %broadcast_in_dim3A_68, %div3A_70 : vector<1x128xf32>
    %add3A_72 = arith.constant 9.99999974E-6 : f32
    %add3A_73 = vector.broadcast %add3A_72 : f32 to vector<1x128xf32>
    %add3A_74 = arith.addf %div3A_71, %add3A_73 : vector<1x128xf32>
    %rsqrt3A_75 = math.rsqrt %add3A_74 : vector<1x128xf32>
    %mul3A_76 = vector.broadcast %rsqrt3A_75 : vector<1x128xf32> to vector<10000x128xf32>
    %mul3A_77 = arith.mulf %sub3A_64, %mul3A_76 : vector<10000x128xf32>
    %get3A_78 = arith.constant 0 : index
    %get3A_79 = arith.constant 0 : index
    %get3A_80 = vector.load %arg8[%get3A_78, %get3A_79] : memref<1x128xf32, #tpu.memory_space<vmem>>, vector<1x128xf32>
    %mul3A_81 = vector.broadcast %get3A_80 : vector<1x128xf32> to vector<10000x128xf32>
    %mul3A_82 = arith.mulf %mul3A_77, %mul3A_81 : vector<10000x128xf32>
    %get3A_83 = arith.constant 0 : index
    %get3A_84 = arith.constant 0 : index
    %get3A_85 = vector.load %arg10[%get3A_83, %get3A_84] : memref<1x128xf32, #tpu.memory_space<vmem>>, vector<1x128xf32>
    %add3A_86 = vector.broadcast %get3A_85 : vector<1x128xf32> to vector<10000x128xf32>
    %add3A_87 = arith.addf %mul3A_82, %add3A_86 : vector<10000x128xf32>
    %max3A_88 = arith.constant 0.000000e+00 : f32
    %max3A_89 = vector.broadcast %max3A_88 : f32 to vector<10000x128xf32>
    %max3A_90 = arith.maximumf %add3A_87, %max3A_89 : vector<10000x128xf32>
    %concatenate3A = tpu.concatenate %max3A_40, %max3A_90 in 1 : vector<10000x128xf32>, vector<10000x128xf32> -> vector<10000x256xf32>
    %get3A_91 = arith.constant 0 : index
    %get3A_92 = arith.constant 0 : index
    %get3A_93 = vector.load %arg11[%get3A_91, %get3A_92] : memref<256x256xf32, #tpu.memory_space<vmem>>, vector<256x256xf32>
    %dot_general3A = arith.constant dense<0.000000e+00> : vector<10000x256xf32>
    %dot_general3A_94 = tpu.matmul %concatenate3A, %get3A_93, %dot_general3A {dimension_numbers = #tpu.dot_dimension_numbers<[1], [0], [0], [1], [0, 0, 1, 1], [], []>, transpose_lhs_hint = false} : vector<10000x256xf32>, vector<256x256xf32>, vector<10000x256xf32> -> vector<10000x256xf32>
    %slice3A = vector.extract_strided_slice %dot_general3A_94 {offsets = [0, 0], sizes = [10000, 128], strides = [1, 1]} : vector<10000x256xf32> to vector<10000x128xf32>
    %get3A_95 = arith.constant 0 : index
    %get3A_96 = arith.constant 0 : index
    %get3A_97 = vector.load %arg4[%get3A_95, %get3A_96] : memref<10000x128xf32, #tpu.memory_space<vmem>>, vector<10000x128xf32>
    %mul3A_98 = arith.mulf %slice3A, %get3A_97 : vector<10000x128xf32>
    %swap3A = arith.constant 0 : index
    %swap3A_99 = arith.constant 0 : index
    %swap3A_100 = vector.load %arg12[%swap3A, %swap3A_99] : memref<10000x128xf32, #tpu.memory_space<vmem>>, vector<10000x128xf32>
    tpu.vector_store %arg12[%swap3A, %swap3A_99], %mul3A_98 {strides = array<i32>} : memref<10000x128xf32, #tpu.memory_space<vmem>>, vector<10000x128xf32>,
    %slice3A_101 = vector.extract_strided_slice %dot_general3A_94 {offsets = [0, 128], sizes = [10000, 128], strides = [1, 1]} : vector<10000x256xf32> to vector<10000x128xf32>
    %get3A_102 = arith.constant 0 : index
    %get3A_103 = arith.constant 0 : index
    %get3A_104 = vector.load %arg4[%get3A_102, %get3A_103] : memref<10000x128xf32, #tpu.memory_space<vmem>>, vector<10000x128xf32>
    %mul3A_105 = arith.mulf %slice3A_101, %get3A_104 : vector<10000x128xf32>
    %swap3A_106 = arith.constant 0 : index
    %swap3A_107 = arith.constant 0 : index
    %swap3A_108 = vector.load %arg13[%swap3A_106, %swap3A_107] : memref<10000x128xf32, #tpu.memory_space<vmem>>, vector<10000x128xf32>
    tpu.vector_store %arg13[%swap3A_106, %swap3A_107], %mul3A_105 {strides = array<i32>} : memref<10000x128xf32, #tpu.memory_space<vmem>>, vector<10000x128xf32>,
    return
  }
}

module attributes {stable_mosaic.version = 14 : i64} {
  func.func @body(%arg0: memref<10000x128xf32, #tpu.memory_space<vmem>>, %arg1: memref<10000x128xf32, #tpu.memory_space<vmem>>, %arg2: memref<10000x128xf32, #tpu.memory_space<vmem>>, %arg3: memref<10000x128xf32, #tpu.memory_space<vmem>>, %arg4: memref<10000x128xf32, #tpu.memory_space<vmem>>, %arg5: memref<1x128xf32, #tpu.memory_space<vmem>>, %arg6: memref<1x128xf32, #tpu.memory_space<vmem>>, %arg7: memref<1x128xf32, #tpu.memory_space<vmem>>, %arg8: memref<1x128xf32, #tpu.memory_space<vmem>>, %arg9: memref<1x128xf32, #tpu.memory_space<vmem>>, %arg10: memref<1x128xf32, #tpu.memory_space<vmem>>, %arg11: memref<256x64xf32, #tpu.memory_space<vmem>>, %arg12: memref<1x64xf32, #tpu.memory_space<vmem>>, %arg13: memref<10000x64xf32, #tpu.memory_space<vmem>>) attributes {dimension_semantics = [], scalar_prefetch = 0 : i64, scratch_operands = 0 : i64, tpu.core_type = #tpu.core_type<tc>} {
    %get3A = arith.constant 0 : index
    %get3A_0 = arith.constant 0 : index
    %get3A_1 = vector.load %arg0[%get3A, %get3A_0] : memref<10000x128xf32, #tpu.memory_space<vmem>>, vector<10000x128xf32>
    %get3A_2 = arith.constant 0 : index
    %get3A_3 = arith.constant 0 : index
    %get3A_4 = vector.load %arg2[%get3A_2, %get3A_3] : memref<10000x128xf32, #tpu.memory_space<vmem>>, vector<10000x128xf32>
    %add3A = arith.addf %get3A_1, %get3A_4 : vector<10000x128xf32>
    %get3A_5 = arith.constant 0 : index
    %get3A_6 = arith.constant 0 : index
    %get3A_7 = vector.load %arg4[%get3A_5, %get3A_6] : memref<10000x128xf32, #tpu.memory_space<vmem>>, vector<10000x128xf32>
    %mul3A = arith.mulf %add3A, %get3A_7 : vector<10000x128xf32>
    %get3A_8 = arith.constant 0 : index
    %get3A_9 = arith.constant 0 : index
    %get3A_10 = vector.load %arg5[%get3A_8, %get3A_9] : memref<1x128xf32, #tpu.memory_space<vmem>>, vector<1x128xf32>
    %add3A_11 = vector.broadcast %get3A_10 : vector<1x128xf32> to vector<10000x128xf32>
    %add3A_12 = arith.addf %mul3A, %add3A_11 : vector<10000x128xf32>
    %reduce_sum3A = arith.constant dense<0.000000e+00> : vector<128xf32>
    %reduce_sum3A_13 = vector.multi_reduction <add>, %add3A_12, %reduce_sum3A [0] : vector<10000x128xf32> to vector<128xf32>
    %broadcast_in_dim3A = vector.shape_cast %reduce_sum3A_13 : vector<128xf32> to vector<1x128xf32>
    %div3A = arith.constant 1.000000e+04 : f32
    %div3A_14 = vector.broadcast %div3A : f32 to vector<1x128xf32>
    %div3A_15 = arith.divf %broadcast_in_dim3A, %div3A_14 : vector<1x128xf32>
    %sub3A = vector.broadcast %div3A_15 : vector<1x128xf32> to vector<10000x128xf32>
    %sub3A_16 = arith.subf %add3A_12, %sub3A : vector<10000x128xf32>
    %mul3A_17 = arith.mulf %sub3A_16, %sub3A_16 : vector<10000x128xf32>
    %reduce_sum3A_18 = arith.constant dense<0.000000e+00> : vector<128xf32>
    %reduce_sum3A_19 = vector.multi_reduction <add>, %mul3A_17, %reduce_sum3A_18 [0] : vector<10000x128xf32> to vector<128xf32>
    %broadcast_in_dim3A_20 = vector.shape_cast %reduce_sum3A_19 : vector<128xf32> to vector<1x128xf32>
    %div3A_21 = arith.constant 1.000000e+04 : f32
    %div3A_22 = vector.broadcast %div3A_21 : f32 to vector<1x128xf32>
    %div3A_23 = arith.divf %broadcast_in_dim3A_20, %div3A_22 : vector<1x128xf32>
    %add3A_24 = arith.constant 9.99999974E-6 : f32
    %add3A_25 = vector.broadcast %add3A_24 : f32 to vector<1x128xf32>
    %add3A_26 = arith.addf %div3A_23, %add3A_25 : vector<1x128xf32>
    %rsqrt3A = math.rsqrt %add3A_26 : vector<1x128xf32>
    %mul3A_27 = vector.broadcast %rsqrt3A : vector<1x128xf32> to vector<10000x128xf32>
    %mul3A_28 = arith.mulf %sub3A_16, %mul3A_27 : vector<10000x128xf32>
    %get3A_29 = arith.constant 0 : index
    %get3A_30 = arith.constant 0 : index
    %get3A_31 = vector.load %arg7[%get3A_29, %get3A_30] : memref<1x128xf32, #tpu.memory_space<vmem>>, vector<1x128xf32>
    %mul3A_32 = vector.broadcast %get3A_31 : vector<1x128xf32> to vector<10000x128xf32>
    %mul3A_33 = arith.mulf %mul3A_28, %mul3A_32 : vector<10000x128xf32>
    %get3A_34 = arith.constant 0 : index
    %get3A_35 = arith.constant 0 : index
    %get3A_36 = vector.load %arg9[%get3A_34, %get3A_35] : memref<1x128xf32, #tpu.memory_space<vmem>>, vector<1x128xf32>
    %add3A_37 = vector.broadcast %get3A_36 : vector<1x128xf32> to vector<10000x128xf32>
    %add3A_38 = arith.addf %mul3A_33, %add3A_37 : vector<10000x128xf32>
    %max3A = arith.constant 0.000000e+00 : f32
    %max3A_39 = vector.broadcast %max3A : f32 to vector<10000x128xf32>
    %max3A_40 = arith.maximumf %add3A_38, %max3A_39 : vector<10000x128xf32>
    %get3A_41 = arith.constant 0 : index
    %get3A_42 = arith.constant 0 : index
    %get3A_43 = vector.load %arg1[%get3A_41, %get3A_42] : memref<10000x128xf32, #tpu.memory_space<vmem>>, vector<10000x128xf32>
    %get3A_44 = arith.constant 0 : index
    %get3A_45 = arith.constant 0 : index
    %get3A_46 = vector.load %arg3[%get3A_44, %get3A_45] : memref<10000x128xf32, #tpu.memory_space<vmem>>, vector<10000x128xf32>
    %add3A_47 = arith.addf %get3A_43, %get3A_46 : vector<10000x128xf32>
    %get3A_48 = arith.constant 0 : index
    %get3A_49 = arith.constant 0 : index
    %get3A_50 = vector.load %arg4[%get3A_48, %get3A_49] : memref<10000x128xf32, #tpu.memory_space<vmem>>, vector<10000x128xf32>
    %mul3A_51 = arith.mulf %add3A_47, %get3A_50 : vector<10000x128xf32>
    %get3A_52 = arith.constant 0 : index
    %get3A_53 = arith.constant 0 : index
    %get3A_54 = vector.load %arg6[%get3A_52, %get3A_53] : memref<1x128xf32, #tpu.memory_space<vmem>>, vector<1x128xf32>
    %add3A_55 = vector.broadcast %get3A_54 : vector<1x128xf32> to vector<10000x128xf32>
    %add3A_56 = arith.addf %mul3A_51, %add3A_55 : vector<10000x128xf32>
    %reduce_sum3A_57 = arith.constant dense<0.000000e+00> : vector<128xf32>
    %reduce_sum3A_58 = vector.multi_reduction <add>, %add3A_56, %reduce_sum3A_57 [0] : vector<10000x128xf32> to vector<128xf32>
    %broadcast_in_dim3A_59 = vector.shape_cast %reduce_sum3A_58 : vector<128xf32> to vector<1x128xf32>
    %div3A_60 = arith.constant 1.000000e+04 : f32
    %div3A_61 = vector.broadcast %div3A_60 : f32 to vector<1x128xf32>
    %div3A_62 = arith.divf %broadcast_in_dim3A_59, %div3A_61 : vector<1x128xf32>
    %sub3A_63 = vector.broadcast %div3A_62 : vector<1x128xf32> to vector<10000x128xf32>
    %sub3A_64 = arith.subf %add3A_56, %sub3A_63 : vector<10000x128xf32>
    %mul3A_65 = arith.mulf %sub3A_64, %sub3A_64 : vector<10000x128xf32>
    %reduce_sum3A_66 = arith.constant dense<0.000000e+00> : vector<128xf32>
    %reduce_sum3A_67 = vector.multi_reduction <add>, %mul3A_65, %reduce_sum3A_66 [0] : vector<10000x128xf32> to vector<128xf32>
    %broadcast_in_dim3A_68 = vector.shape_cast %reduce_sum3A_67 : vector<128xf32> to vector<1x128xf32>
    %div3A_69 = arith.constant 1.000000e+04 : f32
    %div3A_70 = vector.broadcast %div3A_69 : f32 to vector<1x128xf32>
    %div3A_71 = arith.divf %broadcast_in_dim3A_68, %div3A_70 : vector<1x128xf32>
    %add3A_72 = arith.constant 9.99999974E-6 : f32
    %add3A_73 = vector.broadcast %add3A_72 : f32 to vector<1x128xf32>
    %add3A_74 = arith.addf %div3A_71, %add3A_73 : vector<1x128xf32>
    %rsqrt3A_75 = math.rsqrt %add3A_74 : vector<1x128xf32>
    %mul3A_76 = vector.broadcast %rsqrt3A_75 : vector<1x128xf32> to vector<10000x128xf32>
    %mul3A_77 = arith.mulf %sub3A_64, %mul3A_76 : vector<10000x128xf32>
    %get3A_78 = arith.constant 0 : index
    %get3A_79 = arith.constant 0 : index
    %get3A_80 = vector.load %arg8[%get3A_78, %get3A_79] : memref<1x128xf32, #tpu.memory_space<vmem>>, vector<1x128xf32>
    %mul3A_81 = vector.broadcast %get3A_80 : vector<1x128xf32> to vector<10000x128xf32>
    %mul3A_82 = arith.mulf %mul3A_77, %mul3A_81 : vector<10000x128xf32>
    %get3A_83 = arith.constant 0 : index
    %get3A_84 = arith.constant 0 : index
    %get3A_85 = vector.load %arg10[%get3A_83, %get3A_84] : memref<1x128xf32, #tpu.memory_space<vmem>>, vector<1x128xf32>
    %add3A_86 = vector.broadcast %get3A_85 : vector<1x128xf32> to vector<10000x128xf32>
    %add3A_87 = arith.addf %mul3A_82, %add3A_86 : vector<10000x128xf32>
    %max3A_88 = arith.constant 0.000000e+00 : f32
    %max3A_89 = vector.broadcast %max3A_88 : f32 to vector<10000x128xf32>
    %max3A_90 = arith.maximumf %add3A_87, %max3A_89 : vector<10000x128xf32>
    %concatenate3A = tpu.concatenate %max3A_40, %max3A_90 in 1 : vector<10000x128xf32>, vector<10000x128xf32> -> vector<10000x256xf32>
    %get3A_91 = arith.constant 0 : index
    %get3A_92 = arith.constant 0 : index
    %get3A_93 = vector.load %arg11[%get3A_91, %get3A_92] : memref<256x64xf32, #tpu.memory_space<vmem>>, vector<256x64xf32>
    %dot_general3A = arith.constant dense<0.000000e+00> : vector<10000x64xf32>
    %dot_general3A_94 = tpu.matmul %concatenate3A, %get3A_93, %dot_general3A {dimension_numbers = #tpu.dot_dimension_numbers<[1], [0], [0], [1], [0, 0, 1, 1], [], []>, transpose_lhs_hint = false} : vector<10000x256xf32>, vector<256x64xf32>, vector<10000x64xf32> -> vector<10000x64xf32>
    %get3A_95 = arith.constant 0 : index
    %get3A_96 = arith.constant 0 : index
    %get3A_97 = vector.load %arg12[%get3A_95, %get3A_96] : memref<1x64xf32, #tpu.memory_space<vmem>>, vector<1x64xf32>
    %add3A_98 = vector.broadcast %get3A_97 : vector<1x64xf32> to vector<10000x64xf32>
    %add3A_99 = arith.addf %dot_general3A_94, %add3A_98 : vector<10000x64xf32>
    %swap3A = arith.constant 0 : index
    %swap3A_100 = arith.constant 0 : index
    %swap3A_101 = vector.load %arg13[%swap3A, %swap3A_100] : memref<10000x64xf32, #tpu.memory_space<vmem>>, vector<10000x64xf32>
    tpu.vector_store %arg13[%swap3A, %swap3A_100], %add3A_99 {strides = array<i32>} : memref<10000x64xf32, #tpu.memory_space<vmem>>, vector<10000x64xf32>,
    return
  }
}

</mosaic_0001>

<sc_bundles>
// kernel: kernel.12.cloned.1.call-start
scs
__scs_entry_jumppad:
0x0: {  	(pc) =	sbr.rel $0x88, $3  }
0x1: {  	(tag) =	ssettag $0x0;
	lr =	simm.s32 $0x1  }
0x2: {  	[smem:$0x3F95] =	sst lr;
	_ =	strace $0xD0000000  }
0x3: {  	_ = 	snop  }
0x4: {  	_ = 	snop  }
0x5: {  	_ = 	snop  }
0x6: {  	_ = 	snop  }
0x7: {  	_ = 	snop  }
__scs_overlays_trampoline_lowered:
0x8: {  	[smem:$0x3FA4] =	sst s0  }
0x9: {  	[smem:$0x3FA5] =	sst s1  }
0xa: {  	[smem:$0x3FA6] =	sst s2  }
0xb: {  	[smem:$0x3FA7] =	sst s3  }
0xc: {  	[smem:$0x3FA8] =	sst s4  }
0xd: {  	[smem:$0x3FA9] =	sst s5  }
0xe: {  	[smem:$0x3FAA] =	sst s6  }
0xf: {  	[smem:$0x3FAB] =	sst s7  }
0x10: {  	[smem:$0x3FAC] =	sst s8  }
0x11: {  	[smem:$0x3FAD] =	sst s9;
	s0 =	simm.s32 @!p0 $0x0  }
0x12: {  	s1 =	sld [smem:$0x3F93];
	s0 =	simm.s32 @p0 $0x1  }
0x13: {  	[smem:$0x3FAE] =	sst s0;
	s0 =	simm.s32 @!p1 $0x0  }
0x14: {  	s2 =	sld [smem:$0x3F92];
	s0 =	simm.s32 @p1 $0x1  }
0x15: {  	[smem:$0x3FAF] =	sst s0;
	s0 =	simm.s32 @!p2 $0x0  }
0x16: {  	s3 =	sld [smem:$0x3FDB];
	s0 =	simm.s32 @p2 $0x1  }
0x17: {  	s4 =	simm.s32 $0x1BF5;
	[smem:$0x3FB1] =	sst s0  }
0x18: {  	s0 =	sld [smem:$0x3F94];
	_ =	swait.ge [sflag:s4], $0x0  }
0x19: {  	s7 =	sld [smem:$0x3F95]  }
0x1a: {  	s8 =	sadd.s32 $0xFFFFE003, lr  }
0x1b: {  	s9 =	sadd.s32 $0xFFFFFEF7, lr;
	s5 =	simm.s32 $0xFFFFFFFF;
	p2 =	slt.u32 s8, $0xFFFFF086  }
0x1c: {  	p1 =	slt.u32 s9, $0xF7A;
	s5 =	simm.s32 @!p2 $0x0  }
0x1d: {  	s5 =	simm.s32 @p1 $0x1;
	p0 =	seq.s32 s7, s2  }
0x1e: {  	s7 =	smul.u32 @!p0 $0xF7A, s2;
	p2 =	seq.s32 @!p0 s5, $0x0  }
0x1f: {  	s9 =	smul.u32 $0xF7A, s1;
	s8 =	simm.s32 @!p0 $0x1BF5;
	p2 =	por !p2, p0  }
0x20: {  	[sflag:s8] =	ssyncset.s32 @!p0 $0xFFFFF086;
	s6 =	sadd.s32 @!p0 s3, s7;
	s7 =	simm.s32 @!p0 $0x108  }
0x21: {  	s3 =	sadd.s32 s3, s9;
	s6 =	sadd.s32 @!p0 $0x88, s6;
	s7 =	simm.s32 @p2 $0x1082  }
0x22: {  	[simem:s7], [sflag:s8] =	dma.local @!p0 [hbm:s6], $0xF7A  }
0x23: {  	s9 =	sor.u32 $0xD0000000, s2;
	s6 =	simm.s32 $0x108;
	_ =	swait.ge @!p0 [sflag:s8], $0x0  }
0x24: {  	s3 =	sadd.s32 $0x88, s3;
	s6 =	simm.s32 @!p1 $0x1082;
	[sflag:s4] =	ssyncset.s32 $0xFFFFF086  }
0x25: {  	[simem:s6], [sflag:s4] =	dma.local [hbm:s3], $0xF7A  }
0x26: {  	[smem:$0x3F95] =	sst s1;
	(tag) =	ssettag s2;
	_ =	strace s9  }
0x27: {  	s1 =	sld [smem:$0x3FA5]  }
0x28: {  	s2 =	sld [smem:$0x3FA6]  }
0x29: {  	s4 =	sld [smem:$0x3FA8]  }
0x2a: {  	p0 =	seq.s32 s5, $0x0;
	s5 =	sld [smem:$0x3FA9]  }
0x2b: {  	s6 =	sld [smem:$0x3FAA]  }
0x2c: {  	s7 =	sld [smem:$0x3FAB]  }
0x2d: {  	s3 =	simm.s32 $0x108;
	s8 =	sld [smem:$0x3FAC]  }
0x2e: {  	s3 =	simm.s32 @!p0 $0x1082;
	s9 =	sld [smem:$0x3FAD]  }
0x2f: {  	lr =	sadd.s32 s0, s3;
	s0 =	sld [smem:$0x3FA4]  }
0x30: {  	s3 =	sld [smem:$0x3FA7]  }
0x31: {  	[smem:$0x3FB0] =	sst s10  }
0x32: {  	s10 =	sld [smem:$0x3FAE];
	_ =	sdelay $0x3  }
0x33: {  	p0 =	seq.s32 s10, $0x1;
	s10 =	sld [smem:$0x3FB0];
	_ =	sdelay $0x3  }
0x34: {  	[smem:$0x3FB0] =	sst s10  }
0x35: {  	s10 =	sld [smem:$0x3FAF];
	_ =	sdelay $0x3  }
0x36: {  	p1 =	seq.s32 s10, $0x1;
	s10 =	sld [smem:$0x3FB0];
	_ =	sdelay $0x3  }
0x37: {  	[smem:$0x3FB0] =	sst s10  }
0x38: {  	s10 =	sld [smem:$0x3FB1]  }
0x39: {  	_ = 	snop;
	(pc) =	sbr.ind lr, $3  }
0x3a: {  	_ = 	snop  }
0x3b: {  	_ = 	snop  }
0x3c: {  	p2 =	seq.s32 s10, $0x1;
	s10 =	sld [smem:$0x3FB0]  }
0x3d: {  	_ =	shalt  }
0x3e: {  	_ =	shalt  }
0x3f: {  	_ =	shalt  }
0x40: {  	_ =	shalt  }
0x41: {  	_ =	shalt  }
0x42: {  	_ =	shalt  }
0x43: {  	_ =	shalt  }
0x44: {  	_ =	shalt  }
0x45: {  	_ =	shalt  }
0x46: {  	_ =	shalt  }
0x47: {  	_ =	shalt  }
0x48: {  	_ =	shalt  }
0x49: {  	_ =	shalt  }
0x4a: {  	_ =	shalt  }
0x4b: {  	_ =	shalt  }
0x4c: {  	_ =	shalt  }
0x4d: {  	_ =	shalt  }
0x4e: {  	_ =	shalt  }
0x4f: {  	_ =	shalt  }
0x50: {  	_ =	shalt  }
0x51: {  	_ =	shalt  }
0x52: {  	_ =	shalt  }
0x53: {  	_ =	shalt  }
0x54: {  	_ =	shalt  }
0x55: {  	_ =	shalt  }
0x56: {  	_ =	shalt  }
0x57: {  	_ =	shalt  }
0x58: {  	_ =	shalt  }
0x59: {  	_ =	shalt  }
0x5a: {  	_ =	shalt  }
0x5b: {  	_ =	shalt  }
0x5c: {  	_ =	shalt  }
0x5d: {  	_ =	shalt  }
0x5e: {  	_ =	shalt  }
0x5f: {  	_ =	shalt  }
0x60: {  	_ =	shalt  }
0x61: {  	_ =	shalt  }
0x62: {  	_ =	shalt  }
0x63: {  	_ =	shalt  }
0x64: {  	_ =	shalt  }
0x65: {  	_ =	shalt  }
0x66: {  	_ =	shalt  }
0x67: {  	_ =	shalt  }
0x68: {  	_ =	shalt  }
0x69: {  	_ =	shalt  }
0x6a: {  	_ =	shalt  }
0x6b: {  	_ =	shalt  }
0x6c: {  	_ =	shalt  }
0x6d: {  	_ =	shalt  }
0x6e: {  	_ =	shalt  }
0x6f: {  	_ =	shalt  }
0x70: {  	_ =	shalt  }
0x71: {  	_ =	shalt  }
0x72: {  	_ =	shalt  }
0x73: {  	_ =	shalt  }
0x74: {  	_ =	shalt  }
0x75: {  	_ =	shalt  }
0x76: {  	_ =	shalt  }
0x77: {  	_ =	shalt  }
0x78: {  	_ =	shalt  }
0x79: {  	_ =	shalt  }
0x7a: {  	_ =	shalt  }
0x7b: {  	_ =	shalt  }
0x7c: {  	_ =	shalt  }
0x7d: {  	_ =	shalt  }
0x7e: {  	_ =	shalt  }
0x7f: {  	_ =	shalt  }
0x80: {  	_ =	shalt  }
0x81: {  	_ =	shalt  }
0x82: {  	_ =	shalt  }
0x83: {  	_ =	shalt  }
0x84: {  	_ =	shalt  }
0x85: {  	_ =	shalt  }
0x86: {  	_ =	shalt  }
0x87: {  	_ =	shalt  }
.Lfunc_end0:
.L_simem_size_0:
called_computation.1_lowered:
.L_overlay_start_0:
0x88: {  	s2 =	sld [smem:$0x3FD9]  }
0x89: {  	s3 =	sld [smem:$0x3FFE];
	_ =	sdelay $0x1  }
0x8a: {  	s1 =	srdreg.scid  }
0x8b: {  	s0 =	sand.u32 $0x1, s1  }
0x8c: {  	s17 =	sshll.u32 s0, $0xA;
	s2 =	sadd.s32 s3, s2  }
0x8d: {  	s2 =	sadd.s32 s2, s17  }
0x8e: {  	[smem:$0x3FBC] =	sst s2  }
0x8f: {  	_ = 	snop  }
0x90: {  	s2 =	sld [smem:$0x3FD0];
	(tm) =	ssettm $0x1  }
0x91: {  	s18 =	sld [smem:$0x3FFB];
	_ =	sdelay $0x3  }
0x92: {  	_ =	strace s18  }
0x93: {  	s3 =	sld [smem:$0x3FFC];
	_ =	sdelay $0x3  }
0x94: {  	_ =	strace s3  }
0x95: {  	s3 =	sld [smem:$0x3FFD];
	_ =	sdelay $0x3  }
0x96: {  	_ =	strace s3  }
0x97: {  	_ =	strace $0x8FFFFFFF  }
0x98: {  	s19 =	sld [smem:$0x3FDB];
	_ =	sdelay $0x1  }
0x99: {  	s4 =	simm.s32 $_scs_section_size  }
0x9a: {  	s5 =	simm.s32 $_size__tile_overlayer_lowered;
	s6 =	simm.s32 $_tile_overlayer_lowered  }
0x9b: {  	s22 =	simm.s32 $0x1BFF;
	s21 =	sshll.u32 s6, $0x1;
	s3 =	sadd.s32 s4, s19  }
0x9c: {  	s7 =	simm.s32 $0x0;
	s20 =	sshll.u32 s5, $0x1;
	s5 =	sadd.s32 s21, s3  }
0x9d: {  	[timem:s7], [sflag:s22] =	dma.local [hbm:s5], s20  }
0x9e: {  	_ =	swait.ge [sflag:s22], s20  }
0x9f: {  	s4 =	ssub.s32 $0x0, s20;
	[sflag:s22] =	ssyncset.done $0x0  }
0xa0: {  	[sflag:s22] =	ssyncadd.s32 s4;
	_ =	sdelay $0x1  }
0xa1: {  	s23 =	simm.s32 $0x1B8B  }
0xa2: {  	_ =	swait.ge [sflag:s23], $0x1  }
0xa3: {  	[sflag:s23] =	ssyncset.done $0x0  }
0xa4: {  	s25 =	simm.s32 $0x1B8E;
	s24 =	sld [smem:$0x3FFE];
	[sflag:s23] =	ssyncadd.s32 $0xFFFFFFFF  }
0xa5: {  	s26 =	simm.s32 $execute0_lowered;
	[smem:$0x3FD2] =	sst s25  }
0xa6: {  	s5 =	sshll.u32 s26, $0x1;
	_ =	strace $0x80000049;
	[dreg:$0x1] =	wrdreg $0xFFFFFFFF  }
0xa7: {  	s28 =	simm.s32 $_size_execute0_lowered;
	s3 =	sadd.s32 s3, s5;
	[dreg:$0x0] =	wrdreg $0x0  }
0xa8: {  	s5 =	sshll.u32 s28, $0x1;
	[dreg:$0x2] =	wrdreg s3  }
0xa9: {  	[dreg:$0x3] =	wrdreg s5  }
0xaa: {  	[dreg:$0x4] =	wrdreg $0xC0  }
0xab: {  	_ =	task [dreg:s7], $0x5FFFF  }
0xac: {  	[dreg:$0x1] =	wrdreg $0xFFFFFFFF  }
0xad: {  	[dreg:$0x0] =	wrdreg $0x60  }
0xae: {  	[dreg:$0x2] =	wrdreg s24  }
0xaf: {  	[dreg:$0x3] =	wrdreg s2  }
0xb0: {  	[dreg:$0x4] =	wrdreg $0x90000  }
0xb1: {  	[dreg:$0x5] =	wrdreg $0x9  }
0xb2: {  	_ =	task.clear_ibuf [dreg:s7], $0x6FFFF;
	_ =	strace $0x90000049  }
0xb3: {  	s29 =	simm.s32 $0x9;
	_ =	strace $0x8000004B  }
0xb4: {  	_ =	swait.ge [sflag:s29], $0x1  }
0xb5: {  	[sflag:s29] =	ssyncadd.s32 $0xFFFFFFFF  }
0xb6: {  	_ =	strace $0x9000004B  }
0xb7: {  	_ =	sfence  }
0xb8: {  	s30 =	sld [smem:$0x0];
	_ =	sdelay $0x2  }
0xb9: {  	s31 =	sshll.u32 s1, $0xD;
	s1 =	sshrl.u32 s1, $0x2  }
0xba: {  	s3 =	sand.u32 $0x4000, s31;
	s1 =	sadd.s32 s1, s30  }
0xbb: {  	s0 =	sor.u32 s3, s0;
	s1 =	sshll.u32 s1, $0x11  }
0xbc: {  	s0 =	sor.u32 s1, s0  }
0xbd: {  	s0 =	sadd.s32 $0x8F2B, s0  }
0xbe: {  	[sflag:s0] =	ssyncadd.remote.s32 $0x1  }
0xbf: {  	_ =	sfence.sel $0xFFFF  }
0xc0: {  	[dreg:$0x0] =	wrdreg $0xFFFFFFFF;
	(pc) =	sbr.abs _section_cstart, $3  }
0xc1: {  	[dreg:$0x1] =	wrdreg $0xFFFFFFFF  }
0xc2: {  	_ =	task.clear_ibuf [dreg:s7], $0x2FFFF;
	_ =	strace $0x9FFFFFFF  }
0xc3: {  	(tm) =	ssettm $0x7FFFFFFF  }
tec
execute0_lowered:
.L_overlay_start_1:
0x0: {  	(tag) =	ssettag $0x1  }
0x1: {  	s0 =	rddreg [dreg:$0x0]  }
0x2: {  	s2 =	rddreg [dreg:$0x1]  }
0x3: {  	s1 =	rddreg [dreg:$0x2];
	s3 =	simm.s32 $0x0;
	s20 =	stileid.u32  }
0x4: {  	s6 =	srdreg.scid;
	s18 =	simm.s32 $0x5;
	s19 =	simm.s32 $0x800  }
0x5: {  	s28 =	simm.s32 $0x1;
	s29 =	simm.s32 $0x0;
	s7 =	smul.u32 $0x3E80, s20  }
0x6: {  	[smem:$0x7FF] =	sst s3;
	s4 =	sadd.s32 $0x11C00, s0;
	s9 =	smul.u32 $0x4F000, s20  }
0x7: {  	s5 =	sadd.s32 $0x38E00, s0;
	s8 =	sand.u32 $0x1, s6;
	s24 =	smul.u32 $0x7D000, s20  }
0x8: {  	s15 =	sadd.s32 $0x5400, s0;
	s21 =	sadd.s32 $0xF400, s0;
	s25 =	smul.u32 $0x5000, s20  }
0x9: {  	s23 =	sshll.u32 s20, $0x6;
	p2 =	slt.u32 s20, $0xA;
	s16 =	smul.u32 $0xA00, s20  }
0xa: {  	s20 =	simm.s32 $0x80;
	_ =	strace $0x8000004A;
	[dreg:$0x4] =	wrdreg s21  }
0xb: {  	s10 =	ssub.s32 $0x2, s8;
	p0 =	seq.s32 s8, $0x0;
	s14 =	smov.u32 s4  }
0xc: {  	s21 =	simm.s32 $0x1000;
	s0 =	sadd.s32 s7, s0;
	s22 =	sshrl.u32 s10, $0x1  }
0xd: {  	s9 =	sshrl.u32 s9, $0x2;
	s7 =	sor.u32 $0x1C05, s23;
	p1 =	por !p0, !p2  }
0xe: {  	p0 =	seq.s32 s8, $0x1;
	s26 =	sshrl.u32 s24, $0x2;
	s13 =	sshrl.u32 s25, $0x3  }
0xf: {  	s30 =	sadd.s32 s16, s2;
	s31 =	sadd.s32 s16, s15;
	s24 =	simm.s32 $0x5000  }
0x10: {  	s25 =	simm.s32 $0x3;
	s11 =	ssub.s32 s10, s22;
	s17 =	sadd.s32 s9, s1  }
0x11: {  	p1 =	por !p1, !p1;
	s8 =	sadd.s32 s26, s1;
	s9 =	sadd.s32 $0x87200, s0  }
0x12: {  	p2 =	por !p2, !p0;
	s10 =	sadd.s32 $0xAE400, s0;
	s12 =	sadd.s32 s15, s13  }
0x13: {  	s13 =	sadd.s32 s2, s13;
	s14 =	smov.u32 @p0 s5;
	s15 =	sadd.s32 $0x20, s30  }
0x14: {  	s16 =	sadd.s32 $0x20, s31;
	s22 =	simm.s32 $0x2;
	s26 =	simm.s32 $0x4  }
0x15: {  	p2 =	por !p2, !p2;
	s11 =	smax.u32 s11, $0x1;
	s17 =	sshrl.u32 s17, $0x3  }
.LBB2_1:
0x16: {  	s0 =	rddreg [dreg:$0x4]  }
0x17: {  	[spmem:s17], [sflag:s7] =	dma.local [hbm:s0], $0x2780  }
0x18: {  	_ =	swait.ge [sflag:s18], $0x2780  }
0x19: {  	[sflag:s18] =	ssyncset.done $0x0  }
0x1a: {  	[sflag:s18] =	ssyncadd.s32 $0xFFFFD880  }
0x1b: {  	s23 =	simm.s32 $0x0;
	[bflag:$0x0] =	sbarrier.arrive $0xFFFF  }
0x1c: {  	[tilespmem:s23], [sflag:$0x5] =	stream.linear.gather [hbm4b:s12+s23], $0x800, $0x38;
	[tilespmem:$0x1CC00] =	vst v63  }
0x1d: {  	_ =	swait.ge [sflag:s18], $0x800  }
0x1e: {  	[sflag:s18] =	ssyncset.done $0x0  }
0x1f: {  	[sflag:s18] =	ssyncadd.s32 $0xFFFFF800  }
0x20: {  	[tilespmem:s19], [sflag:$0x5] =	stream.linear.gather [hbm4b:s13+s23], $0x800, $0x38;
	[tilespmem:$0x1CC00] =	vst v63  }
0x21: {  	_ =	swait.ge [sflag:s18], $0x800  }
0x22: {  	s2 =	simm.s32 @p0 $0x0;
	[sflag:s18] =	ssyncset.done $0x0  }
0x23: {  	s30 =	simm.s32 @p0 $0x1000;
	s0 =	simm.s32 @p0 $0x80;
	[sflag:s18] =	ssyncadd.s32 $0xFFFFF800  }
0x24: {  	[tilespmem:s30], [sflag:$0x1] =	stream.indirect.gather @p0 [hbm4b:s5+s0], $0x80, s2, s0, $0xb8;
	[tilespmem:$0x1CC00] =	vst v63  }
0x25: {  	s2 =	simm.s32 @p0 $0x5000  }
0x26: {  	[tilespmem:s2], [sflag:$0x2] =	stream.indirect.gather @p0 [hbm4b:s5+s0], $0x80, s0, s0, $0xb8;
	[tilespmem:$0x1CC00] =	vst v63  }
0x27: {  	s30 =	simm.s32 @!p0 $0x1000;
	s0 =	simm.s32 @!p0 $0x80;
	s2 =	simm.s32 @!p0 $0x0  }
0x28: {  	[tilespmem:s30], [sflag:$0x1] =	stream.indirect.gather @!p0 [hbm4b:s4+s0], $0x80, s2, s0, $0xb8;
	[tilespmem:$0x1CC00] =	vst v63  }
0x29: {  	s2 =	simm.s32 @!p0 $0x5000  }
0x2a: {  	[tilespmem:s2], [sflag:$0x2] =	stream.indirect.gather @!p0 [hbm4b:s4+s0], $0x80, s0, s0, $0xb8;
	[tilespmem:$0x1CC00] =	vst v63  }
0x2b: {  	_ =	swait.ge [sflag:s28], $0x4000  }
0x2c: {  	[sflag:s28] =	ssyncset.done $0x0  }
0x2d: {  	[sflag:s28] =	ssyncadd.s32 $0xFFFFC000  }
0x2e: {  	[spmem:s1] =	stream.indirect.scatter.add.f32 [tilespmem:s21], [sflag:$0x3], $0x80, s19, s20, $0xb8;
	[tilespmem:$0x1CC00] =	vst v63  }
0x2f: {  	_ =	swait.ge [sflag:s22], $0x4000  }
0x30: {  	[sflag:s22] =	ssyncset.done $0x0  }
0x31: {  	s2 =	simm.s32 $0x880;
	[sflag:s22] =	ssyncadd.s32 $0xFFFFC000  }
0x32: {  	[spmem:s1] =	stream.indirect.scatter.add.f32 [tilespmem:s24], [sflag:$0x4], $0x80, s2, s20, $0xb8;
	[tilespmem:$0x1CC00] =	vst v63  }
0x33: {  	_ =	swait.ge [sflag:s25], $0x4000  }
0x34: {  	[sflag:s25] =	ssyncset.done $0x0  }
0x35: {  	[sflag:s25] =	ssyncadd.s32 $0xFFFFC000  }
0x36: {  	s3 =	sand.u32 $0x7, s28;
	_ =	swait.ge [sflag:s26], $0x4000  }
0x37: {  	p3 =	sne.s32 s3, $0x0;
	[sflag:s26] =	ssyncset.done $0x0  }
0x38: {  	s30 =	simm.s32 @!p3 $0x5;
	s2 =	simm.s32 @!p3 $0x0;
	[sflag:s26] =	ssyncadd.s32 $0xFFFFC000  }
0x39: {  	[tilespmem:s2], [sflag:$0x5] =	stream.linear.gather @!p3 [hbm4b:s16+s2], $0x800, $0x38;
	[tilespmem:$0x1CC00] =	vst v63  }
0x3a: {  	_ =	swait.ge @!p3 [sflag:s30], $0x800  }
0x3b: {  	[sflag:s30] =	ssyncset.done @!p3 $0x0  }
0x3c: {  	s31 =	simm.s32 @!p3 $0x800;
	[sflag:s30] =	ssyncadd.s32 @!p3 $0xFFFFF800  }
0x3d: {  	[tilespmem:s31], [sflag:$0x5] =	stream.linear.gather @!p3 [hbm4b:s15+s2], $0x800, $0x38;
	[tilespmem:$0x1CC00] =	vst v63  }
0x3e: {  	_ =	swait.ge @!p3 [sflag:s30], $0x800  }
0x3f: {  	[sflag:s30] =	ssyncset.done @!p3 $0x0  }
0x40: {  	s0 =	sshll.u32 s3, $0x8;
	[sflag:s30] =	ssyncadd.s32 @!p3 $0xFFFFF800  }
0x41: {  	[tilespmem:s21], [sflag:$0x1] =	stream.indirect.gather [hbm4b:s14+s20], $0x80, s0, s20, $0xb8;
	[tilespmem:$0x1CC00] =	vst v63  }
0x42: {  	s6 =	sor.u32 $0x80, s0  }
0x43: {  	[tilespmem:s24], [sflag:$0x2] =	stream.indirect.gather [hbm4b:s14+s20], $0x80, s6, s20, $0xb8;
	[tilespmem:$0x1CC00] =	vst v63  }
0x44: {  	_ =	swait.ge [sflag:s28], $0x4000  }
0x45: {  	[sflag:s28] =	ssyncset.done $0x0  }
0x46: {  	s23 =	sor.u32 $0x800, s0;
	[sflag:s28] =	ssyncadd.s32 $0xFFFFC000  }
0x47: {  	[spmem:s1] =	stream.indirect.scatter.add.f32 [tilespmem:s21], [sflag:$0x3], $0x80, s23, s20, $0xb8;
	[tilespmem:$0x1CC00] =	vst v63  }
0x48: {  	_ =	swait.ge [sflag:s22], $0x4000  }
0x49: {  	s31 =	sadd.s32 $0x20, s16;
	s2 =	sor.u32 $0x880, s0;
	[sflag:s22] =	ssyncset.done $0x0  }
0x4a: {  	s30 =	simm.s32 $0x2;
	s0 =	sadd.s32 $0x20, s15;
	[sflag:s22] =	ssyncadd.s32 $0xFFFFC000  }
.LBB2_2:
0x4b: {  	[spmem:s1] =	stream.indirect.scatter.add.f32 [tilespmem:s24], [sflag:$0x4], $0x80, s2, s20, $0xb8;
	[tilespmem:$0x1CC00] =	vst v63  }
0x4c: {  	s2 =	smov.u32 s30;
	s30 =	sadd.s32 $0x1, s30;
	_ =	swait.ge [sflag:s25], $0x4000  }
0x4d: {  	p3 =	sne.s32 s30, $0x50;
	[sflag:s25] =	ssyncset.done $0x0  }
0x4e: {  	[sflag:s25] =	ssyncadd.s32 $0xFFFFC000  }
0x4f: {  	s2 =	sand.u32 $0x7, s2;
	_ =	swait.ge [sflag:s26], $0x4000  }
0x50: {  	p4 =	sne.s32 s2, $0x0;
	[sflag:s26] =	ssyncset.done $0x0  }
0x51: {  	s23 =	simm.s32 @!p4 $0x0;
	s3 =	simm.s32 @!p4 $0x5;
	[sflag:s26] =	ssyncadd.s32 $0xFFFFC000  }
0x52: {  	[tilespmem:s23], [sflag:$0x5] =	stream.linear.gather @!p4 [hbm4b:s31+s23], $0x800, $0x38;
	[tilespmem:$0x1CC00] =	vst v63  }
0x53: {  	_ =	swait.ge @!p4 [sflag:s3], $0x800  }
0x54: {  	[sflag:s3] =	ssyncset.done @!p4 $0x0  }
0x55: {  	s6 =	simm.s32 @!p4 $0x800;
	[sflag:s3] =	ssyncadd.s32 @!p4 $0xFFFFF800  }
0x56: {  	[tilespmem:s6], [sflag:$0x5] =	stream.linear.gather @!p4 [hbm4b:s0+s23], $0x800, $0x38;
	[tilespmem:$0x1CC00] =	vst v63  }
0x57: {  	_ =	swait.ge @!p4 [sflag:s3], $0x800  }
0x58: {  	[sflag:s3] =	ssyncset.done @!p4 $0x0  }
0x59: {  	s2 =	sshll.u32 s2, $0x8;
	[sflag:s3] =	ssyncadd.s32 @!p4 $0xFFFFF800  }
0x5a: {  	[tilespmem:s21], [sflag:$0x1] =	stream.indirect.gather [hbm4b:s14+s20], $0x80, s2, s20, $0xb8;
	[tilespmem:$0x1CC00] =	vst v63  }
0x5b: {  	s3 =	sor.u32 $0x80, s2  }
0x5c: {  	[tilespmem:s24], [sflag:$0x2] =	stream.indirect.gather [hbm4b:s14+s20], $0x80, s3, s20, $0xb8;
	[tilespmem:$0x1CC00] =	vst v63  }
0x5d: {  	_ =	swait.ge [sflag:s28], $0x4000  }
0x5e: {  	[sflag:s28] =	ssyncset.done $0x0  }
.Ltmp0:
0x5f: {  	s3 =	sor.u32 $0x800, s2;
	[sflag:s28] =	ssyncadd.s32 $0xFFFFC000;
	(pc) =	sbr.rel @p3 .LBB2_2-.Ltmp0, $4  }
0x60: {  	[spmem:s1] =	stream.indirect.scatter.add.f32 [tilespmem:s21], [sflag:$0x3], $0x80, s3, s20, $0xb8;
	[tilespmem:$0x1CC00] =	vst v63  }
0x61: {  	_ =	swait.ge [sflag:s22], $0x4000  }
0x62: {  	s31 =	sadd.s32 $0x20, s31;
	[sflag:s22] =	ssyncset.done $0x0  }
0x63: {  	s0 =	sadd.s32 $0x20, s0;
	s2 =	sor.u32 $0x880, s2;
	[sflag:s22] =	ssyncadd.s32 $0xFFFFC000  }
0x64: {  	[spmem:s1] =	stream.indirect.scatter.add.f32 [tilespmem:s24], [sflag:$0x4], $0x80, s2, s20, $0xb8;
	[tilespmem:$0x1CC00] =	vst v63  }
0x65: {  	_ =	swait.ge [sflag:s25], $0x4000  }
0x66: {  	[sflag:s25] =	ssyncset.done $0x0  }
0x67: {  	[sflag:s25] =	ssyncadd.s32 $0xFFFFC000  }
0x68: {  	_ =	swait.ge [sflag:s26], $0x4000  }
0x69: {  	[sflag:s26] =	ssyncset.done $0x0  }
0x6a: {  	[sflag:s26] =	ssyncadd.s32 $0xFFFFC000  }
0x6b: {  	s0 =	sshrl.u32 @p1 s8, $0x3;
	[bflag:$0x0] =	sbarrier.arrive $0xFFFF  }
0x6c: {  	[hbm:s9], [sflag:s7] =	dma.local @p1 [spmem:s0], $0x3E80  }
0x6d: {  	s0 =	simm.s32 @p1 $0x5  }
0x6e: {  	_ =	swait.ge @p1 [sflag:s0], $0x3E80  }
0x6f: {  	s29 =	sadd.s32 $0x1, s29;
	[sflag:s0] =	ssyncset.done @p1 $0x0  }
0x70: {  	p3 =	sne.s32 s29, s11;
	[sflag:s0] =	ssyncadd.s32 @p1 $0xFFFFC180;
	s0 =	sshrl.u32 @p2 s8, $0x3  }
0x71: {  	[hbm:s10], [sflag:s7] =	dma.local @p2 [spmem:s0], $0x3E80  }
.Ltmp1:
0x72: {  	_ = 	snop;
	(pc) =	sbr.rel @p3 .LBB2_1-.Ltmp1, $4  }
0x73: {  	s0 =	simm.s32 @p2 $0x5  }
0x74: {  	_ =	swait.ge @p2 [sflag:s0], $0x3E80  }
0x75: {  	[sflag:s0] =	ssyncset.done @p2 $0x0  }
0x76: {  	[sflag:s0] =	ssyncadd.s32 @p2 $0xFFFFC180  }
0x77: {  	_ =	sfence.sel $0x180000  }
0x78: {  	[bflag:$0x0] =	sbarrier.arrive $0xFFFF  }
0x79: {  	_ =	strace $0x9000004A  }
0x7a: {  	s0 =	stileid.u32;
	[bflag:$0x2] =	sbarrier.arrive $0xFFFF  }
0x7b: {  	p0 =	sne.s32 s0, $0x0;
	s0 =	rddreg [dreg:$0x3]  }
0x7c: {  	s0 =	sadd.s32 @!p0 $0x100000, s0  }
0x7d: {  	[sflag:s0] =	ssyncadd.tile.s32 @!p0 $0x1;
	_ =	shalt  }
.Lfunc_end2:
_tile_overlayer_lowered:
.L_overlay_start_2:
0x7e: {  	(tag) =	ssettag $0x2  }
0x7f: {  	s0 =	rddreg [dreg:$0x0];
	s2 =	stileid.u32  }
0x80: {  	s1 =	rddreg [dreg:$0x1];
	p0 =	sne.s32 s2, $0x0  }
0x81: {  	s3 =	rddreg [dreg:$0x2];
	[bflag:$0x3] =	sbarrier.arrive $0xFFFF;
	s2 =	simm.s32 @!p0 $0x1C05  }
0x82: {  	[timem:s3], [sflag:s2] =	dma.local @!p0 [hbm:s0], s1  }
0x83: {  	s0 =	simm.s32 @!p0 $0x5  }
0x84: {  	_ =	swait.ge @!p0 [sflag:s0], s1  }
0x85: {  	s1 =	ssub.s32 @!p0 $0x0, s1;
	[sflag:s0] =	ssyncset.done @!p0 $0x0  }
0x86: {  	[sflag:s0] =	ssyncadd.s32 @!p0 s1  }
0x87: {  	[bflag:$0x3] =	sbarrier.arrive $0xFFFF  }
0x88: {  	_ =	shalt  }

// kernel: kernel.15.cloned.1.call-start
scs
__scs_entry_jumppad:
0x0: {  	(pc) =	sbr.rel $0x88, $3  }
0x1: {  	(tag) =	ssettag $0x0;
	lr =	simm.s32 $0x1  }
0x2: {  	[smem:$0x3F95] =	sst lr;
	_ =	strace $0xD0000000  }
0x3: {  	_ = 	snop  }
0x4: {  	_ = 	snop  }
0x5: {  	_ = 	snop  }
0x6: {  	_ = 	snop  }
0x7: {  	_ = 	snop  }
__scs_overlays_trampoline_lowered:
0x8: {  	[smem:$0x3FA4] =	sst s0  }
0x9: {  	[smem:$0x3FA5] =	sst s1  }
0xa: {  	[smem:$0x3FA6] =	sst s2  }
0xb: {  	[smem:$0x3FA7] =	sst s3  }
0xc: {  	[smem:$0x3FA8] =	sst s4  }
0xd: {  	[smem:$0x3FA9] =	sst s5  }
0xe: {  	[smem:$0x3FAA] =	sst s6  }
0xf: {  	[smem:$0x3FAB] =	sst s7  }
0x10: {  	[smem:$0x3FAC] =	sst s8  }
0x11: {  	[smem:$0x3FAD] =	sst s9;
	s0 =	simm.s32 @!p0 $0x0  }
0x12: {  	s1 =	sld [smem:$0x3F93];
	s0 =	simm.s32 @p0 $0x1  }
0x13: {  	[smem:$0x3FAE] =	sst s0;
	s0 =	simm.s32 @!p1 $0x0  }
0x14: {  	s2 =	sld [smem:$0x3F92];
	s0 =	simm.s32 @p1 $0x1  }
0x15: {  	[smem:$0x3FAF] =	sst s0;
	s0 =	simm.s32 @!p2 $0x0  }
0x16: {  	s3 =	sld [smem:$0x3FDB];
	s0 =	simm.s32 @p2 $0x1  }
0x17: {  	s4 =	simm.s32 $0x1BF5;
	[smem:$0x3FB1] =	sst s0  }
0x18: {  	s0 =	sld [smem:$0x3F94];
	_ =	swait.ge [sflag:s4], $0x0  }
0x19: {  	s7 =	sld [smem:$0x3F95]  }
0x1a: {  	s8 =	sadd.s32 $0xFFFFE003, lr  }
0x1b: {  	s9 =	sadd.s32 $0xFFFFFEF7, lr;
	s5 =	simm.s32 $0xFFFFFFFF;
	p2 =	slt.u32 s8, $0xFFFFF086  }
0x1c: {  	p1 =	slt.u32 s9, $0xF7A;
	s5 =	simm.s32 @!p2 $0x0  }
0x1d: {  	s5 =	simm.s32 @p1 $0x1;
	p0 =	seq.s32 s7, s2  }
0x1e: {  	s7 =	smul.u32 @!p0 $0xF7A, s2;
	p2 =	seq.s32 @!p0 s5, $0x0  }
0x1f: {  	s9 =	smul.u32 $0xF7A, s1;
	s8 =	simm.s32 @!p0 $0x1BF5;
	p2 =	por !p2, p0  }
0x20: {  	[sflag:s8] =	ssyncset.s32 @!p0 $0xFFFFF086;
	s6 =	sadd.s32 @!p0 s3, s7;
	s7 =	simm.s32 @!p0 $0x108  }
0x21: {  	s3 =	sadd.s32 s3, s9;
	s6 =	sadd.s32 @!p0 $0x88, s6;
	s7 =	simm.s32 @p2 $0x1082  }
0x22: {  	[simem:s7], [sflag:s8] =	dma.local @!p0 [hbm:s6], $0xF7A  }
0x23: {  	s9 =	sor.u32 $0xD0000000, s2;
	s6 =	simm.s32 $0x108;
	_ =	swait.ge @!p0 [sflag:s8], $0x0  }
0x24: {  	s3 =	sadd.s32 $0x88, s3;
	s6 =	simm.s32 @!p1 $0x1082;
	[sflag:s4] =	ssyncset.s32 $0xFFFFF086  }
0x25: {  	[simem:s6], [sflag:s4] =	dma.local [hbm:s3], $0xF7A  }
0x26: {  	[smem:$0x3F95] =	sst s1;
	(tag) =	ssettag s2;
	_ =	strace s9  }
0x27: {  	s1 =	sld [smem:$0x3FA5]  }
0x28: {  	s2 =	sld [smem:$0x3FA6]  }
0x29: {  	s4 =	sld [smem:$0x3FA8]  }
0x2a: {  	p0 =	seq.s32 s5, $0x0;
	s5 =	sld [smem:$0x3FA9]  }
0x2b: {  	s6 =	sld [smem:$0x3FAA]  }
0x2c: {  	s7 =	sld [smem:$0x3FAB]  }
0x2d: {  	s3 =	simm.s32 $0x108;
	s8 =	sld [smem:$0x3FAC]  }
0x2e: {  	s3 =	simm.s32 @!p0 $0x1082;
	s9 =	sld [smem:$0x3FAD]  }
0x2f: {  	lr =	sadd.s32 s0, s3;
	s0 =	sld [smem:$0x3FA4]  }
0x30: {  	s3 =	sld [smem:$0x3FA7]  }
0x31: {  	[smem:$0x3FB0] =	sst s10  }
0x32: {  	s10 =	sld [smem:$0x3FAE];
	_ =	sdelay $0x3  }
0x33: {  	p0 =	seq.s32 s10, $0x1;
	s10 =	sld [smem:$0x3FB0];
	_ =	sdelay $0x3  }
0x34: {  	[smem:$0x3FB0] =	sst s10  }
0x35: {  	s10 =	sld [smem:$0x3FAF];
	_ =	sdelay $0x3  }
0x36: {  	p1 =	seq.s32 s10, $0x1;
	s10 =	sld [smem:$0x3FB0];
	_ =	sdelay $0x3  }
0x37: {  	[smem:$0x3FB0] =	sst s10  }
0x38: {  	s10 =	sld [smem:$0x3FB1]  }
0x39: {  	_ = 	snop;
	(pc) =	sbr.ind lr, $3  }
0x3a: {  	_ = 	snop  }
0x3b: {  	_ = 	snop  }
0x3c: {  	p2 =	seq.s32 s10, $0x1;
	s10 =	sld [smem:$0x3FB0]  }
0x3d: {  	_ =	shalt  }
0x3e: {  	_ =	shalt  }
0x3f: {  	_ =	shalt  }
0x40: {  	_ =	shalt  }
0x41: {  	_ =	shalt  }
0x42: {  	_ =	shalt  }
0x43: {  	_ =	shalt  }
0x44: {  	_ =	shalt  }
0x45: {  	_ =	shalt  }
0x46: {  	_ =	shalt  }
0x47: {  	_ =	shalt  }
0x48: {  	_ =	shalt  }
0x49: {  	_ =	shalt  }
0x4a: {  	_ =	shalt  }
0x4b: {  	_ =	shalt  }
0x4c: {  	_ =	shalt  }
0x4d: {  	_ =	shalt  }
0x4e: {  	_ =	shalt  }
0x4f: {  	_ =	shalt  }
0x50: {  	_ =	shalt  }
0x51: {  	_ =	shalt  }
0x52: {  	_ =	shalt  }
0x53: {  	_ =	shalt  }
0x54: {  	_ =	shalt  }
0x55: {  	_ =	shalt  }
0x56: {  	_ =	shalt  }
0x57: {  	_ =	shalt  }
0x58: {  	_ =	shalt  }
0x59: {  	_ =	shalt  }
0x5a: {  	_ =	shalt  }
0x5b: {  	_ =	shalt  }
0x5c: {  	_ =	shalt  }
0x5d: {  	_ =	shalt  }
0x5e: {  	_ =	shalt  }
0x5f: {  	_ =	shalt  }
0x60: {  	_ =	shalt  }
0x61: {  	_ =	shalt  }
0x62: {  	_ =	shalt  }
0x63: {  	_ =	shalt  }
0x64: {  	_ =	shalt  }
0x65: {  	_ =	shalt  }
0x66: {  	_ =	shalt  }
0x67: {  	_ =	shalt  }
0x68: {  	_ =	shalt  }
0x69: {  	_ =	shalt  }
0x6a: {  	_ =	shalt  }
0x6b: {  	_ =	shalt  }
0x6c: {  	_ =	shalt  }
0x6d: {  	_ =	shalt  }
0x6e: {  	_ =	shalt  }
0x6f: {  	_ =	shalt  }
0x70: {  	_ =	shalt  }
0x71: {  	_ =	shalt  }
0x72: {  	_ =	shalt  }
0x73: {  	_ =	shalt  }
0x74: {  	_ =	shalt  }
0x75: {  	_ =	shalt  }
0x76: {  	_ =	shalt  }
0x77: {  	_ =	shalt  }
0x78: {  	_ =	shalt  }
0x79: {  	_ =	shalt  }
0x7a: {  	_ =	shalt  }
0x7b: {  	_ =	shalt  }
0x7c: {  	_ =	shalt  }
0x7d: {  	_ =	shalt  }
0x7e: {  	_ =	shalt  }
0x7f: {  	_ =	shalt  }
0x80: {  	_ =	shalt  }
0x81: {  	_ =	shalt  }
0x82: {  	_ =	shalt  }
0x83: {  	_ =	shalt  }
0x84: {  	_ =	shalt  }
0x85: {  	_ =	shalt  }
0x86: {  	_ =	shalt  }
0x87: {  	_ =	shalt  }
.Lfunc_end0:
.L_simem_size_0:
called_computation.2_lowered:
.L_overlay_start_0:
0x88: {  	s2 =	sld [smem:$0x3FD9]  }
0x89: {  	s3 =	sld [smem:$0x3FFE];
	_ =	sdelay $0x1  }
0x8a: {  	s1 =	srdreg.scid  }
0x8b: {  	s0 =	sand.u32 $0x1, s1  }
0x8c: {  	s17 =	sshll.u32 s0, $0xA;
	s2 =	sadd.s32 s3, s2  }
0x8d: {  	s2 =	sadd.s32 s2, s17  }
0x8e: {  	[smem:$0x3FBC] =	sst s2  }
0x8f: {  	_ = 	snop  }
0x90: {  	s2 =	sld [smem:$0x3FD0];
	(tm) =	ssettm $0x1  }
0x91: {  	s18 =	sld [smem:$0x3FFB];
	_ =	sdelay $0x3  }
0x92: {  	_ =	strace s18  }
0x93: {  	s3 =	sld [smem:$0x3FFC];
	_ =	sdelay $0x3  }
0x94: {  	_ =	strace s3  }
0x95: {  	s3 =	sld [smem:$0x3FFD];
	_ =	sdelay $0x3  }
0x96: {  	_ =	strace s3  }
0x97: {  	_ =	strace $0x8FFFFFFF  }
0x98: {  	s19 =	sld [smem:$0x3FDB];
	_ =	sdelay $0x1  }
0x99: {  	s4 =	simm.s32 $_scs_section_size  }
0x9a: {  	s5 =	simm.s32 $_size__tile_overlayer_lowered;
	s6 =	simm.s32 $_tile_overlayer_lowered  }
0x9b: {  	s22 =	simm.s32 $0x1BFF;
	s21 =	sshll.u32 s6, $0x1;
	s3 =	sadd.s32 s4, s19  }
0x9c: {  	s7 =	simm.s32 $0x0;
	s20 =	sshll.u32 s5, $0x1;
	s5 =	sadd.s32 s21, s3  }
0x9d: {  	[timem:s7], [sflag:s22] =	dma.local [hbm:s5], s20  }
0x9e: {  	_ =	swait.ge [sflag:s22], s20  }
0x9f: {  	s4 =	ssub.s32 $0x0, s20;
	[sflag:s22] =	ssyncset.done $0x0  }
0xa0: {  	[sflag:s22] =	ssyncadd.s32 s4;
	_ =	sdelay $0x1  }
0xa1: {  	s23 =	simm.s32 $0x1B8B  }
0xa2: {  	_ =	swait.ge [sflag:s23], $0x1  }
0xa3: {  	[sflag:s23] =	ssyncset.done $0x0  }
0xa4: {  	s25 =	simm.s32 $0x1B8E;
	s24 =	sld [smem:$0x3FFE];
	[sflag:s23] =	ssyncadd.s32 $0xFFFFFFFF  }
0xa5: {  	s26 =	simm.s32 $execute0_lowered;
	[smem:$0x3FD2] =	sst s25  }
0xa6: {  	s5 =	sshll.u32 s26, $0x1;
	_ =	strace $0x8000004C;
	[dreg:$0x1] =	wrdreg $0xFFFFFFFF  }
0xa7: {  	s28 =	simm.s32 $_size_execute0_lowered;
	s3 =	sadd.s32 s3, s5;
	[dreg:$0x0] =	wrdreg $0x0  }
0xa8: {  	s5 =	sshll.u32 s28, $0x1;
	[dreg:$0x2] =	wrdreg s3  }
0xa9: {  	[dreg:$0x3] =	wrdreg s5  }
0xaa: {  	[dreg:$0x4] =	wrdreg $0xC0  }
0xab: {  	_ =	task [dreg:s7], $0x5FFFF  }
0xac: {  	[dreg:$0x1] =	wrdreg $0xFFFFFFFF  }
0xad: {  	[dreg:$0x0] =	wrdreg $0x60  }
0xae: {  	[dreg:$0x2] =	wrdreg s24  }
0xaf: {  	[dreg:$0x3] =	wrdreg s2  }
0xb0: {  	[dreg:$0x4] =	wrdreg $0x90000  }
0xb1: {  	[dreg:$0x5] =	wrdreg $0x9  }
0xb2: {  	_ =	task.clear_ibuf [dreg:s7], $0x6FFFF;
	_ =	strace $0x9000004C  }
0xb3: {  	s29 =	simm.s32 $0x9;
	_ =	strace $0x8000004E  }
0xb4: {  	_ =	swait.ge [sflag:s29], $0x1  }
0xb5: {  	[sflag:s29] =	ssyncadd.s32 $0xFFFFFFFF  }
0xb6: {  	_ =	strace $0x9000004E  }
0xb7: {  	_ =	sfence  }
0xb8: {  	s30 =	sld [smem:$0x0];
	_ =	sdelay $0x2  }
0xb9: {  	s31 =	sshll.u32 s1, $0xD;
	s1 =	sshrl.u32 s1, $0x2  }
0xba: {  	s3 =	sand.u32 $0x4000, s31;
	s1 =	sadd.s32 s1, s30  }
0xbb: {  	s0 =	sor.u32 s3, s0;
	s1 =	sshll.u32 s1, $0x11  }
0xbc: {  	s0 =	sor.u32 s1, s0  }
0xbd: {  	s0 =	sadd.s32 $0x8F2B, s0  }
0xbe: {  	[sflag:s0] =	ssyncadd.remote.s32 $0x1  }
0xbf: {  	_ =	sfence.sel $0xFFFF  }
0xc0: {  	[dreg:$0x0] =	wrdreg $0xFFFFFFFF;
	(pc) =	sbr.abs _section_cstart, $3  }
0xc1: {  	[dreg:$0x1] =	wrdreg $0xFFFFFFFF  }
0xc2: {  	_ =	task.clear_ibuf [dreg:s7], $0x2FFFF;
	_ =	strace $0x9FFFFFFF  }
0xc3: {  	(tm) =	ssettm $0x7FFFFFFF  }
tec
execute0_lowered:
.L_overlay_start_1:
0x0: {  	(tag) =	ssettag $0x1  }
0x1: {  	s0 =	rddreg [dreg:$0x0]  }
0x2: {  	s2 =	rddreg [dreg:$0x1]  }
0x3: {  	s1 =	rddreg [dreg:$0x2];
	s3 =	simm.s32 $0x0;
	s20 =	stileid.u32  }
0x4: {  	s6 =	srdreg.scid;
	s18 =	simm.s32 $0x5;
	s19 =	simm.s32 $0x800  }
0x5: {  	s28 =	simm.s32 $0x1;
	s29 =	simm.s32 $0x0;
	s7 =	smul.u32 $0x3E80, s20  }
0x6: {  	[smem:$0x7FF] =	sst s3;
	s4 =	sadd.s32 $0x11C00, s0;
	s9 =	smul.u32 $0x4F000, s20  }
0x7: {  	s5 =	sadd.s32 $0x38E00, s0;
	s8 =	sand.u32 $0x1, s6;
	s24 =	smul.u32 $0x7D000, s20  }
0x8: {  	s15 =	sadd.s32 $0x5400, s0;
	s21 =	sadd.s32 $0xF400, s0;
	s25 =	smul.u32 $0x5000, s20  }
0x9: {  	s23 =	sshll.u32 s20, $0x6;
	p2 =	slt.u32 s20, $0xA;
	s16 =	smul.u32 $0xA00, s20  }
0xa: {  	s20 =	simm.s32 $0x80;
	_ =	strace $0x8000004D;
	[dreg:$0x4] =	wrdreg s21  }
0xb: {  	s10 =	ssub.s32 $0x2, s8;
	p0 =	seq.s32 s8, $0x0;
	s14 =	smov.u32 s4  }
0xc: {  	s21 =	simm.s32 $0x1000;
	s0 =	sadd.s32 s7, s0;
	s22 =	sshrl.u32 s10, $0x1  }
0xd: {  	s9 =	sshrl.u32 s9, $0x2;
	s7 =	sor.u32 $0x1C05, s23;
	p1 =	por !p0, !p2  }
0xe: {  	p0 =	seq.s32 s8, $0x1;
	s26 =	sshrl.u32 s24, $0x2;
	s13 =	sshrl.u32 s25, $0x3  }
0xf: {  	s30 =	sadd.s32 s16, s2;
	s31 =	sadd.s32 s16, s15;
	s24 =	simm.s32 $0x5000  }
0x10: {  	s25 =	simm.s32 $0x3;
	s11 =	ssub.s32 s10, s22;
	s17 =	sadd.s32 s9, s1  }
0x11: {  	p1 =	por !p1, !p1;
	s8 =	sadd.s32 s26, s1;
	s9 =	sadd.s32 $0x87200, s0  }
0x12: {  	p2 =	por !p2, !p0;
	s10 =	sadd.s32 $0xAE400, s0;
	s12 =	sadd.s32 s15, s13  }
0x13: {  	s13 =	sadd.s32 s2, s13;
	s14 =	smov.u32 @p0 s5;
	s15 =	sadd.s32 $0x20, s30  }
0x14: {  	s16 =	sadd.s32 $0x20, s31;
	s22 =	simm.s32 $0x2;
	s26 =	simm.s32 $0x4  }
0x15: {  	p2 =	por !p2, !p2;
	s11 =	smax.u32 s11, $0x1;
	s17 =	sshrl.u32 s17, $0x3  }
.LBB2_1:
0x16: {  	s0 =	rddreg [dreg:$0x4]  }
0x17: {  	[spmem:s17], [sflag:s7] =	dma.local [hbm:s0], $0x2780  }
0x18: {  	_ =	swait.ge [sflag:s18], $0x2780  }
0x19: {  	[sflag:s18] =	ssyncset.done $0x0  }
0x1a: {  	[sflag:s18] =	ssyncadd.s32 $0xFFFFD880  }
0x1b: {  	s23 =	simm.s32 $0x0;
	[bflag:$0x0] =	sbarrier.arrive $0xFFFF  }
0x1c: {  	[tilespmem:s23], [sflag:$0x5] =	stream.linear.gather [hbm4b:s12+s23], $0x800, $0x38;
	[tilespmem:$0x1CC00] =	vst v63  }
0x1d: {  	_ =	swait.ge [sflag:s18], $0x800  }
0x1e: {  	[sflag:s18] =	ssyncset.done $0x0  }
0x1f: {  	[sflag:s18] =	ssyncadd.s32 $0xFFFFF800  }
0x20: {  	[tilespmem:s19], [sflag:$0x5] =	stream.linear.gather [hbm4b:s13+s23], $0x800, $0x38;
	[tilespmem:$0x1CC00] =	vst v63  }
0x21: {  	_ =	swait.ge [sflag:s18], $0x800  }
0x22: {  	s2 =	simm.s32 @p0 $0x0;
	[sflag:s18] =	ssyncset.done $0x0  }
0x23: {  	s30 =	simm.s32 @p0 $0x1000;
	s0 =	simm.s32 @p0 $0x80;
	[sflag:s18] =	ssyncadd.s32 $0xFFFFF800  }
0x24: {  	[tilespmem:s30], [sflag:$0x1] =	stream.indirect.gather @p0 [hbm4b:s5+s0], $0x80, s2, s0, $0xb8;
	[tilespmem:$0x1CC00] =	vst v63  }
0x25: {  	s2 =	simm.s32 @p0 $0x5000  }
0x26: {  	[tilespmem:s2], [sflag:$0x2] =	stream.indirect.gather @p0 [hbm4b:s5+s0], $0x80, s0, s0, $0xb8;
	[tilespmem:$0x1CC00] =	vst v63  }
0x27: {  	s30 =	simm.s32 @!p0 $0x1000;
	s0 =	simm.s32 @!p0 $0x80;
	s2 =	simm.s32 @!p0 $0x0  }
0x28: {  	[tilespmem:s30], [sflag:$0x1] =	stream.indirect.gather @!p0 [hbm4b:s4+s0], $0x80, s2, s0, $0xb8;
	[tilespmem:$0x1CC00] =	vst v63  }
0x29: {  	s2 =	simm.s32 @!p0 $0x5000  }
0x2a: {  	[tilespmem:s2], [sflag:$0x2] =	stream.indirect.gather @!p0 [hbm4b:s4+s0], $0x80, s0, s0, $0xb8;
	[tilespmem:$0x1CC00] =	vst v63  }
0x2b: {  	_ =	swait.ge [sflag:s28], $0x4000  }
0x2c: {  	[sflag:s28] =	ssyncset.done $0x0  }
0x2d: {  	[sflag:s28] =	ssyncadd.s32 $0xFFFFC000  }
0x2e: {  	[spmem:s1] =	stream.indirect.scatter.add.f32 [tilespmem:s21], [sflag:$0x3], $0x80, s19, s20, $0xb8;
	[tilespmem:$0x1CC00] =	vst v63  }
0x2f: {  	_ =	swait.ge [sflag:s22], $0x4000  }
0x30: {  	[sflag:s22] =	ssyncset.done $0x0  }
0x31: {  	s2 =	simm.s32 $0x880;
	[sflag:s22] =	ssyncadd.s32 $0xFFFFC000  }
0x32: {  	[spmem:s1] =	stream.indirect.scatter.add.f32 [tilespmem:s24], [sflag:$0x4], $0x80, s2, s20, $0xb8;
	[tilespmem:$0x1CC00] =	vst v63  }
0x33: {  	_ =	swait.ge [sflag:s25], $0x4000  }
0x34: {  	[sflag:s25] =	ssyncset.done $0x0  }
0x35: {  	[sflag:s25] =	ssyncadd.s32 $0xFFFFC000  }
0x36: {  	s3 =	sand.u32 $0x7, s28;
	_ =	swait.ge [sflag:s26], $0x4000  }
0x37: {  	p3 =	sne.s32 s3, $0x0;
	[sflag:s26] =	ssyncset.done $0x0  }
0x38: {  	s30 =	simm.s32 @!p3 $0x5;
	s2 =	simm.s32 @!p3 $0x0;
	[sflag:s26] =	ssyncadd.s32 $0xFFFFC000  }
0x39: {  	[tilespmem:s2], [sflag:$0x5] =	stream.linear.gather @!p3 [hbm4b:s16+s2], $0x800, $0x38;
	[tilespmem:$0x1CC00] =	vst v63  }
0x3a: {  	_ =	swait.ge @!p3 [sflag:s30], $0x800  }
0x3b: {  	[sflag:s30] =	ssyncset.done @!p3 $0x0  }
0x3c: {  	s31 =	simm.s32 @!p3 $0x800;
	[sflag:s30] =	ssyncadd.s32 @!p3 $0xFFFFF800  }
0x3d: {  	[tilespmem:s31], [sflag:$0x5] =	stream.linear.gather @!p3 [hbm4b:s15+s2], $0x800, $0x38;
	[tilespmem:$0x1CC00] =	vst v63  }
0x3e: {  	_ =	swait.ge @!p3 [sflag:s30], $0x800  }
0x3f: {  	[sflag:s30] =	ssyncset.done @!p3 $0x0  }
0x40: {  	s0 =	sshll.u32 s3, $0x8;
	[sflag:s30] =	ssyncadd.s32 @!p3 $0xFFFFF800  }
0x41: {  	[tilespmem:s21], [sflag:$0x1] =	stream.indirect.gather [hbm4b:s14+s20], $0x80, s0, s20, $0xb8;
	[tilespmem:$0x1CC00] =	vst v63  }
0x42: {  	s6 =	sor.u32 $0x80, s0  }
0x43: {  	[tilespmem:s24], [sflag:$0x2] =	stream.indirect.gather [hbm4b:s14+s20], $0x80, s6, s20, $0xb8;
	[tilespmem:$0x1CC00] =	vst v63  }
0x44: {  	_ =	swait.ge [sflag:s28], $0x4000  }
0x45: {  	[sflag:s28] =	ssyncset.done $0x0  }
0x46: {  	s23 =	sor.u32 $0x800, s0;
	[sflag:s28] =	ssyncadd.s32 $0xFFFFC000  }
0x47: {  	[spmem:s1] =	stream.indirect.scatter.add.f32 [tilespmem:s21], [sflag:$0x3], $0x80, s23, s20, $0xb8;
	[tilespmem:$0x1CC00] =	vst v63  }
0x48: {  	_ =	swait.ge [sflag:s22], $0x4000  }
0x49: {  	s31 =	sadd.s32 $0x20, s16;
	s2 =	sor.u32 $0x880, s0;
	[sflag:s22] =	ssyncset.done $0x0  }
0x4a: {  	s30 =	simm.s32 $0x2;
	s0 =	sadd.s32 $0x20, s15;
	[sflag:s22] =	ssyncadd.s32 $0xFFFFC000  }
.LBB2_2:
0x4b: {  	[spmem:s1] =	stream.indirect.scatter.add.f32 [tilespmem:s24], [sflag:$0x4], $0x80, s2, s20, $0xb8;
	[tilespmem:$0x1CC00] =	vst v63  }
0x4c: {  	s2 =	smov.u32 s30;
	s30 =	sadd.s32 $0x1, s30;
	_ =	swait.ge [sflag:s25], $0x4000  }
0x4d: {  	p3 =	sne.s32 s30, $0x50;
	[sflag:s25] =	ssyncset.done $0x0  }
0x4e: {  	[sflag:s25] =	ssyncadd.s32 $0xFFFFC000  }
0x4f: {  	s2 =	sand.u32 $0x7, s2;
	_ =	swait.ge [sflag:s26], $0x4000  }
0x50: {  	p4 =	sne.s32 s2, $0x0;
	[sflag:s26] =	ssyncset.done $0x0  }
0x51: {  	s23 =	simm.s32 @!p4 $0x0;
	s3 =	simm.s32 @!p4 $0x5;
	[sflag:s26] =	ssyncadd.s32 $0xFFFFC000  }
0x52: {  	[tilespmem:s23], [sflag:$0x5] =	stream.linear.gather @!p4 [hbm4b:s31+s23], $0x800, $0x38;
	[tilespmem:$0x1CC00] =	vst v63  }
0x53: {  	_ =	swait.ge @!p4 [sflag:s3], $0x800  }
0x54: {  	[sflag:s3] =	ssyncset.done @!p4 $0x0  }
0x55: {  	s6 =	simm.s32 @!p4 $0x800;
	[sflag:s3] =	ssyncadd.s32 @!p4 $0xFFFFF800  }
0x56: {  	[tilespmem:s6], [sflag:$0x5] =	stream.linear.gather @!p4 [hbm4b:s0+s23], $0x800, $0x38;
	[tilespmem:$0x1CC00] =	vst v63  }
0x57: {  	_ =	swait.ge @!p4 [sflag:s3], $0x800  }
0x58: {  	[sflag:s3] =	ssyncset.done @!p4 $0x0  }
0x59: {  	s2 =	sshll.u32 s2, $0x8;
	[sflag:s3] =	ssyncadd.s32 @!p4 $0xFFFFF800  }
0x5a: {  	[tilespmem:s21], [sflag:$0x1] =	stream.indirect.gather [hbm4b:s14+s20], $0x80, s2, s20, $0xb8;
	[tilespmem:$0x1CC00] =	vst v63  }
0x5b: {  	s3 =	sor.u32 $0x80, s2  }
0x5c: {  	[tilespmem:s24], [sflag:$0x2] =	stream.indirect.gather [hbm4b:s14+s20], $0x80, s3, s20, $0xb8;
	[tilespmem:$0x1CC00] =	vst v63  }
0x5d: {  	_ =	swait.ge [sflag:s28], $0x4000  }
0x5e: {  	[sflag:s28] =	ssyncset.done $0x0  }
.Ltmp0:
0x5f: {  	s3 =	sor.u32 $0x800, s2;
	[sflag:s28] =	ssyncadd.s32 $0xFFFFC000;
	(pc) =	sbr.rel @p3 .LBB2_2-.Ltmp0, $4  }
0x60: {  	[spmem:s1] =	stream.indirect.scatter.add.f32 [tilespmem:s21], [sflag:$0x3], $0x80, s3, s20, $0xb8;
	[tilespmem:$0x1CC00] =	vst v63  }
0x61: {  	_ =	swait.ge [sflag:s22], $0x4000  }
0x62: {  	s31 =	sadd.s32 $0x20, s31;
	[sflag:s22] =	ssyncset.done $0x0  }
0x63: {  	s0 =	sadd.s32 $0x20, s0;
	s2 =	sor.u32 $0x880, s2;
	[sflag:s22] =	ssyncadd.s32 $0xFFFFC000  }
0x64: {  	[spmem:s1] =	stream.indirect.scatter.add.f32 [tilespmem:s24], [sflag:$0x4], $0x80, s2, s20, $0xb8;
	[tilespmem:$0x1CC00] =	vst v63  }
0x65: {  	_ =	swait.ge [sflag:s25], $0x4000  }
0x66: {  	[sflag:s25] =	ssyncset.done $0x0  }
0x67: {  	[sflag:s25] =	ssyncadd.s32 $0xFFFFC000  }
0x68: {  	_ =	swait.ge [sflag:s26], $0x4000  }
0x69: {  	[sflag:s26] =	ssyncset.done $0x0  }
0x6a: {  	[sflag:s26] =	ssyncadd.s32 $0xFFFFC000  }
0x6b: {  	s0 =	sshrl.u32 @p1 s8, $0x3;
	[bflag:$0x0] =	sbarrier.arrive $0xFFFF  }
0x6c: {  	[hbm:s9], [sflag:s7] =	dma.local @p1 [spmem:s0], $0x3E80  }
0x6d: {  	s0 =	simm.s32 @p1 $0x5  }
0x6e: {  	_ =	swait.ge @p1 [sflag:s0], $0x3E80  }
0x6f: {  	s29 =	sadd.s32 $0x1, s29;
	[sflag:s0] =	ssyncset.done @p1 $0x0  }
0x70: {  	p3 =	sne.s32 s29, s11;
	[sflag:s0] =	ssyncadd.s32 @p1 $0xFFFFC180;
	s0 =	sshrl.u32 @p2 s8, $0x3  }
0x71: {  	[hbm:s10], [sflag:s7] =	dma.local @p2 [spmem:s0], $0x3E80  }
.Ltmp1:
0x72: {  	_ = 	snop;
	(pc) =	sbr.rel @p3 .LBB2_1-.Ltmp1, $4  }
0x73: {  	s0 =	simm.s32 @p2 $0x5  }
0x74: {  	_ =	swait.ge @p2 [sflag:s0], $0x3E80  }
0x75: {  	[sflag:s0] =	ssyncset.done @p2 $0x0  }
0x76: {  	[sflag:s0] =	ssyncadd.s32 @p2 $0xFFFFC180  }
0x77: {  	_ =	sfence.sel $0x180000  }
0x78: {  	[bflag:$0x0] =	sbarrier.arrive $0xFFFF  }
0x79: {  	_ =	strace $0x9000004D  }
0x7a: {  	s0 =	stileid.u32;
	[bflag:$0x2] =	sbarrier.arrive $0xFFFF  }
0x7b: {  	p0 =	sne.s32 s0, $0x0;
	s0 =	rddreg [dreg:$0x3]  }
0x7c: {  	s0 =	sadd.s32 @!p0 $0x100000, s0  }
0x7d: {  	[sflag:s0] =	ssyncadd.tile.s32 @!p0 $0x1;
	_ =	shalt  }
.Lfunc_end2:
_tile_overlayer_lowered:
.L_overlay_start_2:
0x7e: {  	(tag) =	ssettag $0x2  }
0x7f: {  	s0 =	rddreg [dreg:$0x0];
	s2 =	stileid.u32  }
0x80: {  	s1 =	rddreg [dreg:$0x1];
	p0 =	sne.s32 s2, $0x0  }
0x81: {  	s3 =	rddreg [dreg:$0x2];
	[bflag:$0x3] =	sbarrier.arrive $0xFFFF;
	s2 =	simm.s32 @!p0 $0x1C05  }
0x82: {  	[timem:s3], [sflag:s2] =	dma.local @!p0 [hbm:s0], s1  }
0x83: {  	s0 =	simm.s32 @!p0 $0x5  }
0x84: {  	_ =	swait.ge @!p0 [sflag:s0], s1  }
0x85: {  	s1 =	ssub.s32 @!p0 $0x0, s1;
	[sflag:s0] =	ssyncset.done @!p0 $0x0  }
0x86: {  	[sflag:s0] =	ssyncadd.s32 @!p0 s1  }
0x87: {  	[bflag:$0x3] =	sbarrier.arrive $0xFFFF  }
0x88: {  	_ =	shalt  }

// kernel: kernel.9.cloned.1.call-start
scs
__scs_entry_jumppad:
0x0: {  	(pc) =	sbr.rel $0x88, $3  }
0x1: {  	(tag) =	ssettag $0x0;
	lr =	simm.s32 $0x1  }
0x2: {  	[smem:$0x3F95] =	sst lr;
	_ =	strace $0xD0000000  }
0x3: {  	_ = 	snop  }
0x4: {  	_ = 	snop  }
0x5: {  	_ = 	snop  }
0x6: {  	_ = 	snop  }
0x7: {  	_ = 	snop  }
__scs_overlays_trampoline_lowered:
0x8: {  	[smem:$0x3FA4] =	sst s0  }
0x9: {  	[smem:$0x3FA5] =	sst s1  }
0xa: {  	[smem:$0x3FA6] =	sst s2  }
0xb: {  	[smem:$0x3FA7] =	sst s3  }
0xc: {  	[smem:$0x3FA8] =	sst s4  }
0xd: {  	[smem:$0x3FA9] =	sst s5  }
0xe: {  	[smem:$0x3FAA] =	sst s6  }
0xf: {  	[smem:$0x3FAB] =	sst s7  }
0x10: {  	[smem:$0x3FAC] =	sst s8  }
0x11: {  	[smem:$0x3FAD] =	sst s9;
	s0 =	simm.s32 @!p0 $0x0  }
0x12: {  	s1 =	sld [smem:$0x3F93];
	s0 =	simm.s32 @p0 $0x1  }
0x13: {  	[smem:$0x3FAE] =	sst s0;
	s0 =	simm.s32 @!p1 $0x0  }
0x14: {  	s2 =	sld [smem:$0x3F92];
	s0 =	simm.s32 @p1 $0x1  }
0x15: {  	[smem:$0x3FAF] =	sst s0;
	s0 =	simm.s32 @!p2 $0x0  }
0x16: {  	s3 =	sld [smem:$0x3FDB];
	s0 =	simm.s32 @p2 $0x1  }
0x17: {  	s4 =	simm.s32 $0x1BF5;
	[smem:$0x3FB1] =	sst s0  }
0x18: {  	s0 =	sld [smem:$0x3F94];
	_ =	swait.ge [sflag:s4], $0x0  }
0x19: {  	s7 =	sld [smem:$0x3F95]  }
0x1a: {  	s8 =	sadd.s32 $0xFFFFE003, lr  }
0x1b: {  	s9 =	sadd.s32 $0xFFFFFEF7, lr;
	s5 =	simm.s32 $0xFFFFFFFF;
	p2 =	slt.u32 s8, $0xFFFFF086  }
0x1c: {  	p1 =	slt.u32 s9, $0xF7A;
	s5 =	simm.s32 @!p2 $0x0  }
0x1d: {  	s5 =	simm.s32 @p1 $0x1;
	p0 =	seq.s32 s7, s2  }
0x1e: {  	s7 =	smul.u32 @!p0 $0xF7A, s2;
	p2 =	seq.s32 @!p0 s5, $0x0  }
0x1f: {  	s9 =	smul.u32 $0xF7A, s1;
	s8 =	simm.s32 @!p0 $0x1BF5;
	p2 =	por !p2, p0  }
0x20: {  	[sflag:s8] =	ssyncset.s32 @!p0 $0xFFFFF086;
	s6 =	sadd.s32 @!p0 s3, s7;
	s7 =	simm.s32 @!p0 $0x108  }
0x21: {  	s3 =	sadd.s32 s3, s9;
	s6 =	sadd.s32 @!p0 $0x88, s6;
	s7 =	simm.s32 @p2 $0x1082  }
0x22: {  	[simem:s7], [sflag:s8] =	dma.local @!p0 [hbm:s6], $0xF7A  }
0x23: {  	s9 =	sor.u32 $0xD0000000, s2;
	s6 =	simm.s32 $0x108;
	_ =	swait.ge @!p0 [sflag:s8], $0x0  }
0x24: {  	s3 =	sadd.s32 $0x88, s3;
	s6 =	simm.s32 @!p1 $0x1082;
	[sflag:s4] =	ssyncset.s32 $0xFFFFF086  }
0x25: {  	[simem:s6], [sflag:s4] =	dma.local [hbm:s3], $0xF7A  }
0x26: {  	[smem:$0x3F95] =	sst s1;
	(tag) =	ssettag s2;
	_ =	strace s9  }
0x27: {  	s1 =	sld [smem:$0x3FA5]  }
0x28: {  	s2 =	sld [smem:$0x3FA6]  }
0x29: {  	s4 =	sld [smem:$0x3FA8]  }
0x2a: {  	p0 =	seq.s32 s5, $0x0;
	s5 =	sld [smem:$0x3FA9]  }
0x2b: {  	s6 =	sld [smem:$0x3FAA]  }
0x2c: {  	s7 =	sld [smem:$0x3FAB]  }
0x2d: {  	s3 =	simm.s32 $0x108;
	s8 =	sld [smem:$0x3FAC]  }
0x2e: {  	s3 =	simm.s32 @!p0 $0x1082;
	s9 =	sld [smem:$0x3FAD]  }
0x2f: {  	lr =	sadd.s32 s0, s3;
	s0 =	sld [smem:$0x3FA4]  }
0x30: {  	s3 =	sld [smem:$0x3FA7]  }
0x31: {  	[smem:$0x3FB0] =	sst s10  }
0x32: {  	s10 =	sld [smem:$0x3FAE];
	_ =	sdelay $0x3  }
0x33: {  	p0 =	seq.s32 s10, $0x1;
	s10 =	sld [smem:$0x3FB0];
	_ =	sdelay $0x3  }
0x34: {  	[smem:$0x3FB0] =	sst s10  }
0x35: {  	s10 =	sld [smem:$0x3FAF];
	_ =	sdelay $0x3  }
0x36: {  	p1 =	seq.s32 s10, $0x1;
	s10 =	sld [smem:$0x3FB0];
	_ =	sdelay $0x3  }
0x37: {  	[smem:$0x3FB0] =	sst s10  }
0x38: {  	s10 =	sld [smem:$0x3FB1]  }
0x39: {  	_ = 	snop;
	(pc) =	sbr.ind lr, $3  }
0x3a: {  	_ = 	snop  }
0x3b: {  	_ = 	snop  }
0x3c: {  	p2 =	seq.s32 s10, $0x1;
	s10 =	sld [smem:$0x3FB0]  }
0x3d: {  	_ =	shalt  }
0x3e: {  	_ =	shalt  }
0x3f: {  	_ =	shalt  }
0x40: {  	_ =	shalt  }
0x41: {  	_ =	shalt  }
0x42: {  	_ =	shalt  }
0x43: {  	_ =	shalt  }
0x44: {  	_ =	shalt  }
0x45: {  	_ =	shalt  }
0x46: {  	_ =	shalt  }
0x47: {  	_ =	shalt  }
0x48: {  	_ =	shalt  }
0x49: {  	_ =	shalt  }
0x4a: {  	_ =	shalt  }
0x4b: {  	_ =	shalt  }
0x4c: {  	_ =	shalt  }
0x4d: {  	_ =	shalt  }
0x4e: {  	_ =	shalt  }
0x4f: {  	_ =	shalt  }
0x50: {  	_ =	shalt  }
0x51: {  	_ =	shalt  }
0x52: {  	_ =	shalt  }
0x53: {  	_ =	shalt  }
0x54: {  	_ =	shalt  }
0x55: {  	_ =	shalt  }
0x56: {  	_ =	shalt  }
0x57: {  	_ =	shalt  }
0x58: {  	_ =	shalt  }
0x59: {  	_ =	shalt  }
0x5a: {  	_ =	shalt  }
0x5b: {  	_ =	shalt  }
0x5c: {  	_ =	shalt  }
0x5d: {  	_ =	shalt  }
0x5e: {  	_ =	shalt  }
0x5f: {  	_ =	shalt  }
0x60: {  	_ =	shalt  }
0x61: {  	_ =	shalt  }
0x62: {  	_ =	shalt  }
0x63: {  	_ =	shalt  }
0x64: {  	_ =	shalt  }
0x65: {  	_ =	shalt  }
0x66: {  	_ =	shalt  }
0x67: {  	_ =	shalt  }
0x68: {  	_ =	shalt  }
0x69: {  	_ =	shalt  }
0x6a: {  	_ =	shalt  }
0x6b: {  	_ =	shalt  }
0x6c: {  	_ =	shalt  }
0x6d: {  	_ =	shalt  }
0x6e: {  	_ =	shalt  }
0x6f: {  	_ =	shalt  }
0x70: {  	_ =	shalt  }
0x71: {  	_ =	shalt  }
0x72: {  	_ =	shalt  }
0x73: {  	_ =	shalt  }
0x74: {  	_ =	shalt  }
0x75: {  	_ =	shalt  }
0x76: {  	_ =	shalt  }
0x77: {  	_ =	shalt  }
0x78: {  	_ =	shalt  }
0x79: {  	_ =	shalt  }
0x7a: {  	_ =	shalt  }
0x7b: {  	_ =	shalt  }
0x7c: {  	_ =	shalt  }
0x7d: {  	_ =	shalt  }
0x7e: {  	_ =	shalt  }
0x7f: {  	_ =	shalt  }
0x80: {  	_ =	shalt  }
0x81: {  	_ =	shalt  }
0x82: {  	_ =	shalt  }
0x83: {  	_ =	shalt  }
0x84: {  	_ =	shalt  }
0x85: {  	_ =	shalt  }
0x86: {  	_ =	shalt  }
0x87: {  	_ =	shalt  }
.Lfunc_end0:
.L_simem_size_0:
called_computation_lowered:
.L_overlay_start_0:
0x88: {  	s2 =	sld [smem:$0x3FD9]  }
0x89: {  	s3 =	sld [smem:$0x3FFE];
	_ =	sdelay $0x1  }
0x8a: {  	s1 =	srdreg.scid  }
0x8b: {  	s0 =	sand.u32 $0x1, s1  }
0x8c: {  	s17 =	sshll.u32 s0, $0xA;
	s2 =	sadd.s32 s3, s2  }
0x8d: {  	s2 =	sadd.s32 s2, s17  }
0x8e: {  	[smem:$0x3FBC] =	sst s2  }
0x8f: {  	_ = 	snop  }
0x90: {  	s2 =	sld [smem:$0x3FD0];
	(tm) =	ssettm $0x1  }
0x91: {  	s18 =	sld [smem:$0x3FFB];
	_ =	sdelay $0x3  }
0x92: {  	_ =	strace s18  }
0x93: {  	s3 =	sld [smem:$0x3FFC];
	_ =	sdelay $0x3  }
0x94: {  	_ =	strace s3  }
0x95: {  	s3 =	sld [smem:$0x3FFD];
	_ =	sdelay $0x3  }
0x96: {  	_ =	strace s3  }
0x97: {  	_ =	strace $0x8FFFFFFF  }
0x98: {  	s19 =	sld [smem:$0x3FDB];
	_ =	sdelay $0x1  }
0x99: {  	s4 =	simm.s32 $_scs_section_size  }
0x9a: {  	s5 =	simm.s32 $_size__tile_overlayer_lowered;
	s6 =	simm.s32 $_tile_overlayer_lowered  }
0x9b: {  	s22 =	simm.s32 $0x1BFF;
	s21 =	sshll.u32 s6, $0x1;
	s3 =	sadd.s32 s4, s19  }
0x9c: {  	s7 =	simm.s32 $0x0;
	s20 =	sshll.u32 s5, $0x1;
	s5 =	sadd.s32 s21, s3  }
0x9d: {  	[timem:s7], [sflag:s22] =	dma.local [hbm:s5], s20  }
0x9e: {  	_ =	swait.ge [sflag:s22], s20  }
0x9f: {  	s4 =	ssub.s32 $0x0, s20;
	[sflag:s22] =	ssyncset.done $0x0  }
0xa0: {  	[sflag:s22] =	ssyncadd.s32 s4;
	_ =	sdelay $0x1  }
0xa1: {  	s23 =	simm.s32 $0x1B8B  }
0xa2: {  	_ =	swait.ge [sflag:s23], $0x1  }
0xa3: {  	[sflag:s23] =	ssyncset.done $0x0  }
0xa4: {  	s25 =	simm.s32 $0x1B8E;
	s24 =	sld [smem:$0x3FFE];
	[sflag:s23] =	ssyncadd.s32 $0xFFFFFFFF  }
0xa5: {  	s26 =	simm.s32 $execute0_lowered;
	[smem:$0x3FD2] =	sst s25  }
0xa6: {  	s5 =	sshll.u32 s26, $0x1;
	_ =	strace $0x80000046;
	[dreg:$0x1] =	wrdreg $0xFFFFFFFF  }
0xa7: {  	s28 =	simm.s32 $_size_execute0_lowered;
	s3 =	sadd.s32 s3, s5;
	[dreg:$0x0] =	wrdreg $0x0  }
0xa8: {  	s5 =	sshll.u32 s28, $0x1;
	[dreg:$0x2] =	wrdreg s3  }
0xa9: {  	[dreg:$0x3] =	wrdreg s5  }
0xaa: {  	[dreg:$0x4] =	wrdreg $0xC0  }
0xab: {  	_ =	task [dreg:s7], $0x5FFFF  }
0xac: {  	[dreg:$0x1] =	wrdreg $0xFFFFFFFF  }
0xad: {  	[dreg:$0x0] =	wrdreg $0x60  }
0xae: {  	[dreg:$0x2] =	wrdreg s2  }
0xaf: {  	[dreg:$0x3] =	wrdreg s24  }
0xb0: {  	[dreg:$0x4] =	wrdreg $0x68000  }
0xb1: {  	[dreg:$0x5] =	wrdreg $0x9  }
0xb2: {  	_ =	task.clear_ibuf [dreg:s7], $0x6FFFF;
	_ =	strace $0x90000046  }
0xb3: {  	s29 =	simm.s32 $0x9;
	_ =	strace $0x80000048  }
0xb4: {  	_ =	swait.ge [sflag:s29], $0x1  }
0xb5: {  	[sflag:s29] =	ssyncadd.s32 $0xFFFFFFFF  }
0xb6: {  	_ =	strace $0x90000048  }
0xb7: {  	_ =	sfence  }
0xb8: {  	s30 =	sld [smem:$0x0];
	_ =	sdelay $0x2  }
0xb9: {  	s31 =	sshll.u32 s1, $0xD;
	s1 =	sshrl.u32 s1, $0x2  }
0xba: {  	s3 =	sand.u32 $0x4000, s31;
	s1 =	sadd.s32 s1, s30  }
0xbb: {  	s0 =	sor.u32 s3, s0;
	s1 =	sshll.u32 s1, $0x11  }
0xbc: {  	s0 =	sor.u32 s1, s0  }
0xbd: {  	s0 =	sadd.s32 $0x8F2B, s0  }
0xbe: {  	[sflag:s0] =	ssyncadd.remote.s32 $0x1  }
0xbf: {  	_ =	sfence.sel $0xFFFF  }
0xc0: {  	[dreg:$0x0] =	wrdreg $0xFFFFFFFF;
	(pc) =	sbr.abs _section_cstart, $3  }
0xc1: {  	[dreg:$0x1] =	wrdreg $0xFFFFFFFF  }
0xc2: {  	_ =	task.clear_ibuf [dreg:s7], $0x2FFFF;
	_ =	strace $0x9FFFFFFF  }
0xc3: {  	(tm) =	ssettm $0x7FFFFFFF  }
tec
execute0_lowered:
.L_overlay_start_1:
0x0: {  	(tag) =	ssettag $0x1  }
0x1: {  	s7 =	rddreg [dreg:$0x0]  }
0x2: {  	s6 =	rddreg [dreg:$0x1]  }
0x3: {  	s0 =	srdreg.scid;
	s2 =	rddreg [dreg:$0x2]  }
0x4: {  	s1 =	stileid.u32;
	s3 =	simm.s32 $0x0;
	s13 =	simm.s32 $0x80  }
0x5: {  	s8 =	sand.u32 $0x1, s0;
	s0 =	rddreg [dreg:$0x3];
	s5 =	smul.u32 $0x3E80, s1  }
0x6: {  	s15 =	simm.s32 $0x0;
	[smem:$0x7FF] =	sst s3;
	s10 =	smul.u32 $0x4F000, s1  }
0x7: {  	s11 =	sshll.u32 s1, $0x1;
	s29 =	smul.u32 $0x7D000, s1;
	s31 =	sshll.u32 s1, $0x6  }
0x8: {  	p0 =	sgt.u32 s1, $0x9;
	s4 =	smul.u32 $0x27100, s8;
	s28 =	ssub.s32 $0x2, s8  }
0x9: {  	_ =	strace $0x80000047;
	s8 =	sor.u32 s8, s11;
	s12 =	sshrl.u32 s28, $0x1  }
0xa: {  	s30 =	sshrl.u32 s10, $0x2;
	s8 =	smul.u32 $0x500, s8;
	s11 =	sshrl.u32 s29, $0x2  }
0xb: {  	s9 =	sadd.s32 s5, s4;
	s4 =	sadd.s32 $0x11C00, s6;
	s5 =	sadd.s32 $0xF400, s6  }
0xc: {  	s12 =	ssub.s32 s28, s12;
	s10 =	sadd.s32 s30, s2;
	s14 =	sadd.s32 s11, s2  }
0xd: {  	s11 =	simm.s32 $0x1;
	s9 =	sadd.s32 s9, s6;
	s6 =	sor.u32 $0x1C01, s31  }
0xe: {  	s7 =	sadd.s32 s7, s8;
	s10 =	sshrl.u32 s10, $0x3;
	s14 =	sshrl.u32 @!p0 s14, $0x3  }
0xf: {  	s8 =	sadd.s32 $0x12400, s9;
	s9 =	smax.u32 s12, $0x1;
	s12 =	simm.s32 $0x2800  }
.LBB2_1:
0x10: {  	[spmem:s10], [sflag:s6] =	dma.local [hbm:s5], $0x2780  }
0x11: {  	_ =	swait.ge [sflag:s11], $0x2780  }
0x12: {  	[sflag:s11] =	ssyncset.done $0x0  }
0x13: {  	[sflag:s11] =	ssyncadd.s32 $0xFFFFD880  }
0x14: {  	[tilespmem:s12], [sflag:$0x1] =	stream.linear.gather [hbm4b:s4+s3], $0x4000, $0x38;
	[tilespmem:$0x1A400] =	vst v63  }
0x15: {  	_ =	swait.ge [sflag:s11], $0x4000  }
0x16: {  	[sflag:s11] =	ssyncset.done $0x0  }
0x17: {  	[sflag:s11] =	ssyncadd.s32 $0xFFFFC000  }
0x18: {  	[tilespmem:s3], [sflag:$0x1] =	stream.linear.gather [hbm4b:s7+s3], $0x2800, $0x38;
	[tilespmem:$0x1A400] =	vst v63  }
0x19: {  	_ =	swait.ge [sflag:s11], $0x2800  }
0x1a: {  	[sflag:s11] =	ssyncset.done $0x0  }
0x1b: {  	[sflag:s11] =	ssyncadd.s32 $0xFFFFD800  }
0x1c: {  	s16 =	simm.s32 $0x0;
	[bflag:$0x0] =	sbarrier.arrive $0xFFFF  }
0x1d: {  	[spmem:s2] =	stream.indirect.scatter.add.f32 [tilespmem:s12], [sflag:$0x1], $0x80, s16, s13, $0xb8;
	[tilespmem:$0x1A400] =	vst v63  }
0x1e: {  	_ =	swait.ge [sflag:s11], $0x4000  }
0x1f: {  	s16 =	simm.s32 $0x200;
	[sflag:s11] =	ssyncset.done $0x0  }
.LBB2_2:
0x20: {  	s17 =	sshra.s32 s16, $0x2;
	[sflag:s11] =	ssyncadd.s32 $0xFFFFC000;
	p1 =	sne.s32 s16, $0x9E00  }
0x21: {  	[spmem:s2] =	stream.indirect.scatter.add.f32 [tilespmem:s12], [sflag:$0x1], $0x80, s17, s13, $0xb8;
	[tilespmem:$0x1A400] =	vst v63  }
.Ltmp0:
0x22: {  	_ = 	snop;
	(pc) =	sbr.rel @p1 .LBB2_2-.Ltmp0, $4  }
0x23: {  	_ = 	snop  }
0x24: {  	s16 =	sadd.s32 $0x200, s16  }
0x25: {  	_ =	swait.ge [sflag:s11], $0x4000  }
0x26: {  	[sflag:s11] =	ssyncset.done $0x0  }
0x27: {  	s15 =	sadd.s32 $0x1, s15  }
0x28: {  	[sflag:s11] =	ssyncadd.s32 $0xFFFFC000;
	p1 =	sne.s32 s15, s9  }
.Ltmp1:
0x29: {  	s16 =	simm.s32 @!p0 $0x1;
	[bflag:$0x0] =	sbarrier.arrive $0xFFFF;
	(pc) =	sbr.rel @p1 .LBB2_1-.Ltmp1, $4  }
0x2a: {  	[hbm:s8], [sflag:s6] =	dma.local @!p0 [spmem:s14], $0x3E80  }
0x2b: {  	_ =	swait.ge @!p0 [sflag:s16], $0x3E80  }
0x2c: {  	[sflag:s16] =	ssyncset.done @!p0 $0x0  }
0x2d: {  	[sflag:s16] =	ssyncadd.s32 @!p0 $0xFFFFC180  }
0x2e: {  	_ =	sfence.sel $0x180000  }
0x2f: {  	[bflag:$0x0] =	sbarrier.arrive $0xFFFF  }
0x30: {  	p0 =	sne.s32 s1, $0x0;
	_ =	strace $0x90000047  }
0x31: {  	s0 =	sadd.s32 @!p0 $0x100000, s0;
	[bflag:$0x2] =	sbarrier.arrive $0xFFFF  }
0x32: {  	[sflag:s0] =	ssyncadd.tile.s32 @!p0 $0x1;
	_ =	shalt  }
.Lfunc_end2:
_tile_overlayer_lowered:
.L_overlay_start_2:
0x33: {  	(tag) =	ssettag $0x2  }
0x34: {  	s0 =	rddreg [dreg:$0x0];
	s2 =	stileid.u32  }
0x35: {  	s1 =	rddreg [dreg:$0x1];
	p0 =	sne.s32 s2, $0x0  }
0x36: {  	s3 =	rddreg [dreg:$0x2];
	[bflag:$0x3] =	sbarrier.arrive $0xFFFF;
	s2 =	simm.s32 @!p0 $0x1C01  }
0x37: {  	[timem:s3], [sflag:s2] =	dma.local @!p0 [hbm:s0], s1  }
0x38: {  	s0 =	simm.s32 @!p0 $0x1  }
0x39: {  	_ =	swait.ge @!p0 [sflag:s0], s1  }
0x3a: {  	s1 =	ssub.s32 @!p0 $0x0, s1;
	[sflag:s0] =	ssyncset.done @!p0 $0x0  }
0x3b: {  	[sflag:s0] =	ssyncadd.s32 @!p0 s1  }
0x3c: {  	[bflag:$0x3] =	sbarrier.arrive $0xFFFF  }
0x3d: {  	_ =	shalt  }

</sc_bundles>
